<compile_context>
chip_gen: v7x
topology: tpu7x:2x2x1
jax: 0.10.2.dev20260603
libtpu: 0.0.44.dev20260713+nightly
codegen_flags: <defaults>
</compile_context>

<pallas_src>
import functools

import jax
import jax.numpy as jnp
from jax import lax
from jax.experimental import pallas as pl
from jax.experimental.pallas import tpu as pltpu
from jax.experimental.pallas import tpu_sc as plsc

KNN = 3
NEG_INF = float("-inf")


def _knn_idx_body(x_ref, t4_ref, w1n_ref, w1c_ref,
                  idx_ref, p_ref, q_ref, *, rb, n):
    b = pl.program_id(0)
    jb = pl.program_id(1)

    x0j = x_ref[0, 0:1, :]
    x1j = x_ref[0, 1:2, :]
    xi = t4_ref[0, pl.ds(jb * rb, rb), :][:, 0:2]
    xi0 = xi[:, 0:1]
    xi1 = xi[:, 1:2]

    p_ref[:, 0:32] = jnp.dot(xi, w1n_ref[...], preferred_element_type=jnp.float32)
    p_ref[:, 32:128] = jnp.zeros((rb, 96), jnp.float32)
    q_ref[...] = jnp.dot(xi, w1c_ref[...], preferred_element_type=jnp.float32)

    xxj = x0j * x0j + x1j * x1j
    xxi = xi0 * xi0 + xi1 * xi1
    inner = jnp.dot(-2.0 * xi, x_ref[0], preferred_element_type=jnp.float32)
    negxxj = 0.0 - xxj

    cw = 128
    neg = jnp.full((rb, cw), NEG_INF, jnp.float32)
    r1 = r2 = r3 = r4 = neg
    for c in range(n // cw):
        sl = slice(c * cw, (c + 1) * cw)
        pdc = (negxxj[:, sl] - inner[:, sl]) - xxi
        t = jnp.minimum(r1, pdc)
        r1 = jnp.maximum(r1, pdc)
        t2 = jnp.minimum(r2, t)
        r2 = jnp.maximum(r2, t)
        t3 = jnp.minimum(r3, t2)
        r3 = jnp.maximum(r3, t2)
        r4 = jnp.maximum(r4, t3)
    w = cw
    while w > 1:
        hw = w // 2
        a1, b1 = r1[:, :hw], r1[:, hw:w]
        a2, b2 = r2[:, :hw], r2[:, hw:w]
        a3, b3 = r3[:, :hw], r3[:, hw:w]
        a4, b4 = r4[:, :hw], r4[:, hw:w]
        r1 = jnp.maximum(a1, b1)
        t = jnp.minimum(a1, b1)
        u = jnp.maximum(a2, b2)
        r2 = jnp.maximum(t, u)
        r3 = jnp.maximum(jnp.minimum(t, u),
                         jnp.maximum(jnp.minimum(a2, b2),
                                     jnp.maximum(a3, b3)))
        r4 = jnp.maximum(
            jnp.maximum(b4, a4),
            jnp.maximum(jnp.minimum(a1, b3),
                        jnp.maximum(jnp.minimum(a2, b2),
                                    jnp.minimum(a3, b1))))
        w = hw
    base = b * n
    ms = (r1, r2, r3)

    tie = jnp.max(jnp.where((r1 == r2) | (r2 == r3) | (r3 == r4),
                            1.0, 0.0)) > 0.5

    iota = jax.lax.broadcasted_iota(jnp.int32, (rb, n), 1).astype(jnp.float32)
    pdfull = (negxxj - inner) - xxi
    for kk in range(KNN):
        isel = jnp.min(jnp.where(pdfull == ms[kk], iota, float(n)),
                       axis=1, keepdims=True)
        idx_ref[:, kk:kk + 1] = isel.astype(jnp.int32) + base

    @pl.when(tie)
    def _():
        pdl = pdfull
        for kk in range(KNN):
            m = jnp.max(pdl, axis=1, keepdims=True)
            isel = jnp.min(jnp.where(pdl == m, iota, float(n)),
                           axis=1, keepdims=True)
            idx_ref[:, kk:kk + 1] = isel.astype(jnp.int32) + base
            if kk + 1 < KNN:
                pdl = jnp.where(iota == isel, NEG_INF, pdl)


def _knn_idx(x, t4, w1n, w1c, rb):
    b_, d_, n = x.shape
    nb = n // rb
    body = functools.partial(_knn_idx_body, rb=rb, n=n)
    return pl.pallas_call(
        body,
        grid=(b_, nb),
        in_specs=[
            pl.BlockSpec((1, 2, n), lambda b, j: (b, 0, 0)),
            pl.BlockSpec((1, n, 4), lambda b, j: (b, 0, 0)),
            pl.BlockSpec((2, 32), lambda b, j: (0, 0)),
            pl.BlockSpec((2, 32), lambda b, j: (0, 0)),
        ],
        out_specs=[
            pl.BlockSpec((rb, KNN), lambda b, j, nb=nb: (b * nb + j, 0)),
            pl.BlockSpec((rb, 128), lambda b, j, nb=nb: (b * nb + j, 0)),
            pl.BlockSpec((rb, 32), lambda b, j, nb=nb: (b * nb + j, 0)),
        ],
        out_shape=[
            jax.ShapeDtypeStruct((b_ * n, KNN), jnp.int32),
            jax.ShapeDtypeStruct((b_ * n, 128), jnp.float32),
            jax.ShapeDtypeStruct((b_ * n, 32), jnp.float32),
        ],
    )(x, t4, w1n, w1c)


def _sc_gather(table, idx_flat):
    e_, dd = idx_flat.shape[0], table.shape[1]
    info = plsc.get_sparse_core_info()
    nc, ns = info.num_cores, info.num_subcores
    nw = nc * ns
    b_per_w = e_ // nw
    nch = 2
    b_per_c = b_per_w // nch
    mesh = plsc.VectorSubcoreMesh(core_axis_name="c", subcore_axis_name="s")

    @functools.partial(
        pl.kernel, mesh=mesh,
        out_type=jax.ShapeDtypeStruct((e_, dd), jnp.float32),
        scratch_types=[
            pltpu.VMEM((b_per_c,), jnp.int32),
            pltpu.VMEM((b_per_c, dd), jnp.float32),
            pltpu.SemaphoreType.DMA,
        ],
    )
    def k(table_hbm, idx_hbm, out_hbm, idx_v, rows_v, sem):
        wid = lax.axis_index("s") * nc + lax.axis_index("c")
        for c in range(nch):
            base = wid * b_per_w + c * b_per_c
            pltpu.sync_copy(idx_hbm.at[pl.ds(base, b_per_c)], idx_v)
            pltpu.async_copy(table_hbm.at[idx_v], rows_v, sem).wait()
            pltpu.sync_copy(rows_v, out_hbm.at[pl.ds(base, b_per_c)])

    return k(table, idx_flat)


def _conv1_body(g_ref, q_ref, h1_ref, s_ref, ss_ref):
    j = pl.program_id(0)
    q = q_ref[...]
    s_loc = jnp.zeros((1, 32), jnp.float32)
    ss_loc = jnp.zeros((1, 32), jnp.float32)
    for kk in range(KNN):
        h1k = g_ref[kk][:, 0:32] + q
        h1_ref[kk] = h1k
        s_loc = s_loc + jnp.sum(h1k, axis=0, keepdims=True)
        ss_loc = ss_loc + jnp.sum(h1k * h1k, axis=0, keepdims=True)

    @pl.when(j == 0)
    def _():
        s_ref[...] = jnp.zeros_like(s_ref)
        ss_ref[...] = jnp.zeros_like(ss_ref)

    s_ref[...] += s_loc
    ss_ref[...] += ss_loc


def _conv1(gath, q, pr):
    p = q.shape[0]
    nb = p // pr
    return pl.pallas_call(
        _conv1_body,
        grid=(nb,),
        in_specs=[
            pl.BlockSpec((KNN, pr, 128), lambda j: (0, j, 0)),
            pl.BlockSpec((pr, 32), lambda j: (j, 0)),
        ],
        out_specs=[
            pl.BlockSpec((KNN, pr, 32), lambda j: (0, j, 0)),
            pl.BlockSpec((1, 32), lambda j: (0, 0)),
            pl.BlockSpec((1, 32), lambda j: (0, 0)),
        ],
        out_shape=[
            jax.ShapeDtypeStruct((KNN, p, 32), jnp.float32),
            jax.ShapeDtypeStruct((1, 32), jnp.float32),
            jax.ShapeDtypeStruct((1, 32), jnp.float32),
        ],
    )(gath, q)


def _stage_body(h_ref, sc_ref, sh_ref, wt_ref, xp_ref, hn_ref, s_ref, ss_ref,
                *, cout):
    j = pl.program_id(0)
    sc = sc_ref[...]
    sh = sh_ref[...]
    a = [jnp.maximum(h_ref[kk] * sc + sh, 0.0) for kk in range(KNN)]
    xp_ref[...] = jnp.maximum(jnp.maximum(a[0], a[1]), a[2])

    s_loc = jnp.zeros((1, cout), jnp.float32)
    ss_loc = jnp.zeros((1, cout), jnp.float32)
    for kk in range(KNN):
        hn = jnp.dot(a[kk], wt_ref[...], preferred_element_type=jnp.float32)
        hn_ref[kk] = hn
        s_loc = s_loc + jnp.sum(hn, axis=0, keepdims=True)
        ss_loc = ss_loc + jnp.sum(hn * hn, axis=0, keepdims=True)

    @pl.when(j == 0)
    def _():
        s_ref[...] = jnp.zeros_like(s_ref)
        ss_ref[...] = jnp.zeros_like(ss_ref)

    s_ref[...] += s_loc
    ss_ref[...] += ss_loc


def _stage(h, scale, shift, wt, pr):
    p = h.shape[1]
    cin = h.shape[2]
    cout = wt.shape[1]
    nb = p // pr
    body = functools.partial(_stage_body, cout=cout)
    return pl.pallas_call(
        body,
        grid=(nb,),
        in_specs=[
            pl.BlockSpec((KNN, pr, cin), lambda j: (0, j, 0)),
            pl.BlockSpec((1, cin), lambda j: (0, 0)),
            pl.BlockSpec((1, cin), lambda j: (0, 0)),
            pl.BlockSpec((cin, cout), lambda j: (0, 0)),
        ],
        out_specs=[
            pl.BlockSpec((pr, cin), lambda j: (j, 0)),
            pl.BlockSpec((KNN, pr, cout), lambda j: (0, j, 0)),
            pl.BlockSpec((1, cout), lambda j: (0, 0)),
            pl.BlockSpec((1, cout), lambda j: (0, 0)),
        ],
        out_shape=[
            jax.ShapeDtypeStruct((p, cin), jnp.float32),
            jax.ShapeDtypeStruct((KNN, p, cout), jnp.float32),
            jax.ShapeDtypeStruct((1, cout), jnp.float32),
            jax.ShapeDtypeStruct((1, cout), jnp.float32),
        ],
    )(h, scale, shift, wt)


def _stage4_body(h_ref, sc_ref, sh_ref, wt_ref, xp_ref, s_ref, ss_ref):
    j = pl.program_id(0)
    sc = sc_ref[...]
    sh = sh_ref[...]
    a = [jnp.maximum(h_ref[kk] * sc + sh, 0.0) for kk in range(KNN)]
    xp_ref[...] = jnp.maximum(jnp.maximum(a[0], a[1]), a[2])

    s_loc = jnp.zeros((1, 256), jnp.float32)
    ss_loc = jnp.zeros((1, 256), jnp.float32)
    for kk in range(KNN):
        hn = jnp.dot(a[kk], wt_ref[...], preferred_element_type=jnp.float32)
        s_loc = s_loc + jnp.sum(hn, axis=0, keepdims=True)
        ss_loc = ss_loc + jnp.sum(hn * hn, axis=0, keepdims=True)

    @pl.when(j == 0)
    def _():
        s_ref[...] = jnp.zeros_like(s_ref)
        ss_ref[...] = jnp.zeros_like(ss_ref)

    s_ref[...] += s_loc
    ss_ref[...] += ss_loc


def _stage4(h3, scale, shift, w4t, pr):
    p = h3.shape[1]
    nb = p // pr
    return pl.pallas_call(
        _stage4_body,
        grid=(nb,),
        in_specs=[
            pl.BlockSpec((KNN, pr, 128), lambda j: (0, j, 0)),
            pl.BlockSpec((1, 128), lambda j: (0, 0)),
            pl.BlockSpec((1, 128), lambda j: (0, 0)),
            pl.BlockSpec((128, 256), lambda j: (0, 0)),
        ],
        out_specs=[
            pl.BlockSpec((pr, 128), lambda j: (j, 0)),
            pl.BlockSpec((1, 256), lambda j: (0, 0)),
            pl.BlockSpec((1, 256), lambda j: (0, 0)),
        ],
        out_shape=[
            jax.ShapeDtypeStruct((p, 128), jnp.float32),
            jax.ShapeDtypeStruct((1, 256), jnp.float32),
            jax.ShapeDtypeStruct((1, 256), jnp.float32),
        ],
    )(h3, scale, shift, w4t)


def _final_conv_body(h_ref, sc3_ref, sh3_ref, w4t_ref, sc4_ref, sh4_ref,
                     x1_ref, x2_ref, x3_ref,
                     w5a_ref, w5b_ref, w5c_ref, w5d_ref,
                     h5_ref, s_ref, ss_ref):
    j = pl.program_id(0)
    sc3 = sc3_ref[...]
    sh3 = sh3_ref[...]
    sc4 = sc4_ref[...]
    sh4 = sh4_ref[...]
    x4 = None
    for kk in range(KNN):
        a3 = jnp.maximum(h_ref[kk] * sc3 + sh3, 0.0)
        h4 = jnp.dot(a3, w4t_ref[...], preferred_element_type=jnp.float32)
        a4 = jnp.maximum(h4 * sc4 + sh4, 0.0)
        x4 = a4 if x4 is None else jnp.maximum(x4, a4)

    h5 = (jnp.dot(x1_ref[...], w5a_ref[...], preferred_element_type=jnp.float32)
          + jnp.dot(x2_ref[...], w5b_ref[...], preferred_element_type=jnp.float32)
          + jnp.dot(x3_ref[...], w5c_ref[...], preferred_element_type=jnp.float32)
          + jnp.dot(x4, w5d_ref[...], preferred_element_type=jnp.float32))
    h5_ref[...] = h5

    @pl.when(j == 0)
    def _():
        s_ref[...] = jnp.zeros_like(s_ref)
        ss_ref[...] = jnp.zeros_like(ss_ref)

    s_ref[...] += jnp.sum(h5, axis=0, keepdims=True)
    ss_ref[...] += jnp.sum(h5 * h5, axis=0, keepdims=True)


def _final_conv(h3, sc3, sh3, w4t, sc4, sh4, x1, x2, x3,
                w5a, w5b, w5c, w5d, pr):
    p = h3.shape[1]
    nb = p // pr
    return pl.pallas_call(
        _final_conv_body,
        grid=(nb,),
        in_specs=[
            pl.BlockSpec((KNN, pr, 128), lambda j: (0, j, 0)),
            pl.BlockSpec((1, 128), lambda j: (0, 0)),
            pl.BlockSpec((1, 128), lambda j: (0, 0)),
            pl.BlockSpec((128, 256), lambda j: (0, 0)),
            pl.BlockSpec((1, 256), lambda j: (0, 0)),
            pl.BlockSpec((1, 256), lambda j: (0, 0)),
            pl.BlockSpec((pr, 32), lambda j: (j, 0)),
            pl.BlockSpec((pr, 64), lambda j: (j, 0)),
            pl.BlockSpec((pr, 128), lambda j: (j, 0)),
            pl.BlockSpec((32, 512), lambda j: (0, 0)),
            pl.BlockSpec((64, 512), lambda j: (0, 0)),
            pl.BlockSpec((128, 512), lambda j: (0, 0)),
            pl.BlockSpec((256, 512), lambda j: (0, 0)),
        ],
        out_specs=[
            pl.BlockSpec((pr, 512), lambda j: (j, 0)),
            pl.BlockSpec((1, 512), lambda j: (0, 0)),
            pl.BlockSpec((1, 512), lambda j: (0, 0)),
        ],
        out_shape=[
            jax.ShapeDtypeStruct((p, 512), jnp.float32),
            jax.ShapeDtypeStruct((1, 512), jnp.float32),
            jax.ShapeDtypeStruct((1, 512), jnp.float32),
        ],
    )(h3, sc3, sh3, w4t, sc4, sh4, x1, x2, x3, w5a, w5b, w5c, w5d)


def _out_body(h5_ref, sc_ref, sh_ref, o_ref):
    a = jnp.maximum(h5_ref[...] * sc_ref[...] + sh_ref[...], 0.0)
    o_ref[0] = a.T


def _out_pass(h5, scale, shift, b_, n, pr):
    nb = n // pr
    return pl.pallas_call(
        _out_body,
        grid=(b_, nb),
        in_specs=[
            pl.BlockSpec((pr, 512), lambda b, j, nb=nb: (b * nb + j, 0)),
            pl.BlockSpec((1, 512), lambda b, j: (0, 0)),
            pl.BlockSpec((1, 512), lambda b, j: (0, 0)),
        ],
        out_specs=pl.BlockSpec((1, 512, pr), lambda b, j: (b, 0, j)),
        out_shape=jax.ShapeDtypeStruct((b_, 512, n), jnp.float32),
    )(h5, scale, shift)


def _bn_coeffs(s, ss, m, g, b, eps=1e-5):
    mean = s / m
    var = jnp.maximum(ss / m - mean * mean, 0.0)
    scale = g[None, :] / jnp.sqrt(var + eps)
    shift = b[None, :] - mean * scale
    return scale, shift


def kernel(x, W1, W2, W3, W4, W5, g1, b1, g2, b2, g3, b3, g4, b4, g5, b5):
    b_, d_, n = x.shape
    xt = jnp.swapaxes(x, 1, 2)
    t4 = jnp.concatenate(
        [xt, jnp.ones((b_, n, 1), jnp.float32),
         jnp.zeros((b_, n, 1), jnp.float32)], axis=2)
    w1n = W1[:, :2].T
    w1c = W1[:, 2:].T

    rb = 512
    pr = 1024
    p = b_ * n
    m_edge = float(p * KNN)
    m_pt = float(p)

    idx, ptab, qtab = _knn_idx(x, t4, w1n, w1c, rb)
    idx_flat = idx.T.reshape(-1)
    gath = _sc_gather(ptab, idx_flat).reshape(KNN, p, 128)
    h1, s1, ss1 = _conv1(gath, qtab, pr)
    sc1, sh1 = _bn_coeffs(s1, ss1, m_edge, g1, b1)

    x1, h2, s2, ss2 = _stage(h1, sc1, sh1, W2.T, pr)
    sc2, sh2 = _bn_coeffs(s2, ss2, m_edge, g2, b2)

    x2, h3, s3, ss3 = _stage(h2, sc2, sh2, W3.T, pr)
    sc3, sh3 = _bn_coeffs(s3, ss3, m_edge, g3, b3)

    w4t = W4.T
    x3, s4, ss4 = _stage4(h3, sc3, sh3, w4t, pr)
    sc4, sh4 = _bn_coeffs(s4, ss4, m_edge, g4, b4)

    w5t = W5.T
    h5, s5, ss5 = _final_conv(h3, sc3, sh3, w4t, sc4, sh4, x1, x2, x3,
                              w5t[:32], w5t[32:96], w5t[96:224], w5t[224:],
                              pr)
    sc5, sh5 = _bn_coeffs(s5, ss5, m_pt, g5, b5)

    return _out_pass(h5, sc5, sh5, b_, n, pr)

# --- scband reference (transcript-rebuilt; emitter-appended) ---
"""Pipeline reference for scband-dgcnn-cor-39900246180143 (READ-ONLY COPY).

The authoritative reference and input builder live on the scoring server;
editing this copy changes nothing except your own understanding.
"""

import jax, jax.numpy as jnp
import numpy as np

K = 3

def knn(x, k):
    # x: [B, D, N]
    xt = jnp.swapaxes(x, 2, 1)  # [B, N, D]
    inner = -2.0 * jnp.matmul(xt, x)  # [B, N, N]
    xx = jnp.sum(x ** 2, axis=1, keepdims=True)  # [B, 1, N]
    pairwise_distance = -xx - inner - jnp.swapaxes(xx, 2, 1)
    _, idx = jax.lax.top_k(pairwise_distance, k)  # [B, N, k]
    return idx

def get_graph_feature(x, k):
    idx = knn(x, k)
    B, N, _ = idx.shape
    D = x.shape[1]
    xt = jnp.swapaxes(x, 2, 1).reshape(B * N, D)  # [B*N, D]
    idx_base = (jnp.arange(B, dtype=idx.dtype) * N)[:, None, None]
    flat_idx = (idx + idx_base).reshape(-1)
    feature = jnp.take(xt, flat_idx, axis=0).reshape(B, N, k, D)
    xrep = jnp.broadcast_to(xt.reshape(B, N, 1, D), (B, N, k, D))
    out = jnp.concatenate([feature, xrep], axis=3)  # [B, N, k, 2D]
    return jnp.transpose(out, (0, 3, 1, 2))  # [B, 2D, N, k]

def conv1x1(x, W):
    # W: [C_out, C_in], x: [B, C_in, N, k]
    return jnp.einsum('oc,bcnk->bonk', W, x)

def batchnorm2d(x, g, b, eps=1e-5):
    mean = jnp.mean(x, axis=(0, 2, 3), keepdims=True)
    var = jnp.var(x, axis=(0, 2, 3), keepdims=True)
    xh = (x - mean) / jnp.sqrt(var + eps)
    return g[None, :, None, None] * xh + b[None, :, None, None]

def setup_inputs(seed: int = 0) -> dict:
    key = jax.random.key(seed)
    ks = jax.random.split(key, 6)
    B, D, N = 4, 2, 4096
    x = jax.random.normal(ks[0], (B, D, N), dtype=jnp.float32)
    def winit(k, co, ci):
        return jax.random.normal(k, (co, ci), dtype=jnp.float32) * np.sqrt(2.0 / ci)
    W1 = winit(ks[1], 32, 2 * D)
    W2 = winit(ks[2], 64, 32)
    W3 = winit(ks[3], 128, 64)
    W4 = winit(ks[4], 256, 128)
    W5 = winit(ks[5], 512, 32 + 64 + 128 + 256)
    inp = {'x': x, 'W1': W1, 'W2': W2, 'W3': W3, 'W4': W4, 'W5': W5}
    for i, c in zip([1, 2, 3, 4, 5], [32, 64, 128, 256, 512]):
        inp['g%d' % i] = jnp.ones((c,), dtype=jnp.float32)
        inp['b%d' % i] = jnp.zeros((c,), dtype=jnp.float32)
    return inp

def reference(x, W1, W2, W3, W4, W5, g1, b1, g2, b2, g3, b3, g4, b4, g5, b5):
    B, D, N = x.shape
    h = get_graph_feature(x, K)  # [B, 2D, N, K]
    h = jax.nn.relu(batchnorm2d(conv1x1(h, W1), g1, b1))
    x1 = jnp.max(h, axis=-1, keepdims=True)
    h = jax.nn.relu(batchnorm2d(conv1x1(h, W2), g2, b2))
    x2 = jnp.max(h, axis=-1, keepdims=True)
    h = jax.nn.relu(batchnorm2d(conv1x1(h, W3), g3, b3))
    x3 = jnp.max(h, axis=-1, keepdims=True)
    h = jax.nn.relu(batchnorm2d(conv1x1(h, W4), g4, b4))
    x4 = jnp.max(h, axis=-1, keepdims=True)
    h = jnp.concatenate([x1, x2, x3, x4], axis=1)  # [B, 480, N, 1]
    h = jax.nn.relu(batchnorm2d(conv1x1(h, W5), g5, b5))
    return h.reshape(B, -1, N)

if __name__ == "__main__":
    import jax
    _d = setup_inputs()
    print(jax.jit(kernel)(*tuple(_d.values())))

</pallas_src>

<mosaic_0001>
#map = affine_map<(d0, d1) -> (0, 0)>
#map1 = affine_map<(d0, d1) -> (0)>
module attributes {stable_mosaic.version = 14 : i64} {
  func.func @k(%arg0: i32, %arg1: i32, %arg2: memref<16384x128xf32, #tpu.memory_space<hbm>>, %arg3: memref<49152xi32, #tpu.memory_space<hbm>>, %arg4: memref<49152x128xf32, #tpu.memory_space<hbm>>, %arg5: memref<768xi32, #tpu.memory_space<vmem>>, %arg6: memref<768x128xf32, #tpu.memory_space<vmem>>, %arg7: memref<!tpu.dma_semaphore, #tpu.memory_space<semaphore_mem>>) attributes {dimension_semantics = [#tpu.dimension_semantics<core_parallel>, #tpu.dimension_semantics<subcore_parallel>], iteration_bounds = array<i64: 2, 16>, scalar_prefetch = 0 : i64, scratch_operands = 3 : i64, tpu.core_type = #tpu.core_type<sc_vector_subcore>, window_params = [{transform_indices = #map}, {transform_indices = #map1}, {transform_indices = #map}]} {
    %mul3A = arith.constant 2 : i32
    %mul3A_0 = arith.muli %arg1, %mul3A : i32
    %add3A = arith.addi %mul3A_0, %arg0 : i32
    %mul3A_1 = arith.constant 1536 : i32
    %mul3A_2 = arith.muli %add3A, %mul3A_1 : i32
    %add3A_3 = arith.constant 0 : i32
    %add3A_4 = arith.addi %mul3A_2, %add3A_3 : i32
    "tpu.region"() ({
      %run_scoped3A = tpu.sem_alloc : memref<!tpu.dma_semaphore, #tpu.memory_space<semaphore_mem>>
      %dma_start3A_19 = tpu.memref_slice %arg3[%add3A_4] : memref<49152xi32, #tpu.memory_space<hbm>> -> memref<768xi32, #tpu.memory_space<hbm>>
      %dma_start3A_20 = tpu.memref_slice %arg3[%add3A_4] : memref<49152xi32, #tpu.memory_space<hbm>> -> memref<768xi32, #tpu.memory_space<hbm>>
      tpu.enqueue_dma source(%dma_start3A_20 : memref<768xi32, #tpu.memory_space<hbm>>) target(%arg5 : memref<768xi32, #tpu.memory_space<vmem>>) target_semaphore(%run_scoped3A : memref<!tpu.dma_semaphore, #tpu.memory_space<semaphore_mem>>)
      %dma_wait3A_21 = tpu.memref_slice %arg3[%add3A_4] : memref<49152xi32, #tpu.memory_space<hbm>> -> memref<768xi32, #tpu.memory_space<hbm>>
      %dma_wait3A_22 = tpu.memref_slice %arg3[%add3A_4] : memref<49152xi32, #tpu.memory_space<hbm>> -> memref<768xi32, #tpu.memory_space<hbm>>
      tpu.wait_dma2 semaphore(%run_scoped3A : memref<!tpu.dma_semaphore, #tpu.memory_space<semaphore_mem>>) src(%dma_wait3A_22 : memref<768xi32, #tpu.memory_space<hbm>>) dst(%arg5 : memref<768xi32, #tpu.memory_space<vmem>>)
      tpu.yield
    }) : () -> ()
    %dma_start3A = arith.constant 0 : i32
    %dma_start3A_5 = arith.constant 0 : i32
    %dma_start3A_6 = tpu.memref_slice %arg2[%dma_start3A, %dma_start3A_5] : memref<16384x128xf32, #tpu.memory_space<hbm>> -> memref<16384x128xf32, #tpu.memory_space<hbm>>
    tpu.enqueue_indirect_dma source(%dma_start3A_6 : memref<16384x128xf32, #tpu.memory_space<hbm>>) target(%arg6 : memref<768x128xf32, #tpu.memory_space<vmem>>) offsets(%arg5 : memref<768xi32, #tpu.memory_space<vmem>>) semaphore(%arg7 : memref<!tpu.dma_semaphore, #tpu.memory_space<semaphore_mem>>)
    %dma_wait3A = arith.constant 0 : i32
    %dma_wait3A_7 = arith.constant 0 : i32
    %dma_wait3A_8 = tpu.memref_slice %arg2[%dma_wait3A, %dma_wait3A_7] : memref<16384x128xf32, #tpu.memory_space<hbm>> -> memref<16384x128xf32, #tpu.memory_space<hbm>>
    tpu.wait_indirect_dma semaphore(%arg7 : memref<!tpu.dma_semaphore, #tpu.memory_space<semaphore_mem>>) src(%dma_wait3A_8 : memref<16384x128xf32, #tpu.memory_space<hbm>>) dst(%arg6 : memref<768x128xf32, #tpu.memory_space<vmem>>)
    "tpu.region"() ({
      %run_scoped3A = tpu.sem_alloc : memref<!tpu.dma_semaphore, #tpu.memory_space<semaphore_mem>>
      %dma_start3A_19 = arith.constant 0 : i32
      %dma_start3A_20 = tpu.memref_slice %arg4[%add3A_4, %dma_start3A_19] : memref<49152x128xf32, #tpu.memory_space<hbm>> -> memref<768x128xf32, #tpu.memory_space<hbm>>
      %dma_start3A_21 = arith.constant 0 : i32
      %dma_start3A_22 = tpu.memref_slice %arg4[%add3A_4, %dma_start3A_21] : memref<49152x128xf32, #tpu.memory_space<hbm>> -> memref<768x128xf32, #tpu.memory_space<hbm>>
      tpu.enqueue_dma source(%arg6 : memref<768x128xf32, #tpu.memory_space<vmem>>) target(%dma_start3A_22 : memref<768x128xf32, #tpu.memory_space<hbm>>) target_semaphore(%run_scoped3A : memref<!tpu.dma_semaphore, #tpu.memory_space<semaphore_mem>>)
      %dma_wait3A_23 = arith.constant 0 : i32
      %dma_wait3A_24 = tpu.memref_slice %arg4[%add3A_4, %dma_wait3A_23] : memref<49152x128xf32, #tpu.memory_space<hbm>> -> memref<768x128xf32, #tpu.memory_space<hbm>>
      %dma_wait3A_25 = arith.constant 0 : i32
      %dma_wait3A_26 = tpu.memref_slice %arg4[%add3A_4, %dma_wait3A_25] : memref<49152x128xf32, #tpu.memory_space<hbm>> -> memref<768x128xf32, #tpu.memory_space<hbm>>
      tpu.wait_dma2 semaphore(%run_scoped3A : memref<!tpu.dma_semaphore, #tpu.memory_space<semaphore_mem>>) src(%arg6 : memref<768x128xf32, #tpu.memory_space<vmem>>) dst(%dma_wait3A_26 : memref<768x128xf32, #tpu.memory_space<hbm>>)
      tpu.yield
    }) : () -> ()
    %mul3A_9 = arith.constant 1536 : i32
    %mul3A_10 = arith.muli %add3A, %mul3A_9 : i32
    %add3A_11 = arith.constant 768 : i32
    %add3A_12 = arith.addi %mul3A_10, %add3A_11 : i32
    "tpu.region"() ({
      %run_scoped3A = tpu.sem_alloc : memref<!tpu.dma_semaphore, #tpu.memory_space<semaphore_mem>>
      %dma_start3A_19 = tpu.memref_slice %arg3[%add3A_12] : memref<49152xi32, #tpu.memory_space<hbm>> -> memref<768xi32, #tpu.memory_space<hbm>>
      %dma_start3A_20 = tpu.memref_slice %arg3[%add3A_12] : memref<49152xi32, #tpu.memory_space<hbm>> -> memref<768xi32, #tpu.memory_space<hbm>>
      tpu.enqueue_dma source(%dma_start3A_20 : memref<768xi32, #tpu.memory_space<hbm>>) target(%arg5 : memref<768xi32, #tpu.memory_space<vmem>>) target_semaphore(%run_scoped3A : memref<!tpu.dma_semaphore, #tpu.memory_space<semaphore_mem>>)
      %dma_wait3A_21 = tpu.memref_slice %arg3[%add3A_12] : memref<49152xi32, #tpu.memory_space<hbm>> -> memref<768xi32, #tpu.memory_space<hbm>>
      %dma_wait3A_22 = tpu.memref_slice %arg3[%add3A_12] : memref<49152xi32, #tpu.memory_space<hbm>> -> memref<768xi32, #tpu.memory_space<hbm>>
      tpu.wait_dma2 semaphore(%run_scoped3A : memref<!tpu.dma_semaphore, #tpu.memory_space<semaphore_mem>>) src(%dma_wait3A_22 : memref<768xi32, #tpu.memory_space<hbm>>) dst(%arg5 : memref<768xi32, #tpu.memory_space<vmem>>)
      tpu.yield
    }) : () -> ()
    %dma_start3A_13 = arith.constant 0 : i32
    %dma_start3A_14 = arith.constant 0 : i32
    %dma_start3A_15 = tpu.memref_slice %arg2[%dma_start3A_13, %dma_start3A_14] : memref<16384x128xf32, #tpu.memory_space<hbm>> -> memref<16384x128xf32, #tpu.memory_space<hbm>>
    tpu.enqueue_indirect_dma source(%dma_start3A_15 : memref<16384x128xf32, #tpu.memory_space<hbm>>) target(%arg6 : memref<768x128xf32, #tpu.memory_space<vmem>>) offsets(%arg5 : memref<768xi32, #tpu.memory_space<vmem>>) semaphore(%arg7 : memref<!tpu.dma_semaphore, #tpu.memory_space<semaphore_mem>>)
    %dma_wait3A_16 = arith.constant 0 : i32
    %dma_wait3A_17 = arith.constant 0 : i32
    %dma_wait3A_18 = tpu.memref_slice %arg2[%dma_wait3A_16, %dma_wait3A_17] : memref<16384x128xf32, #tpu.memory_space<hbm>> -> memref<16384x128xf32, #tpu.memory_space<hbm>>
    tpu.wait_indirect_dma semaphore(%arg7 : memref<!tpu.dma_semaphore, #tpu.memory_space<semaphore_mem>>) src(%dma_wait3A_18 : memref<16384x128xf32, #tpu.memory_space<hbm>>) dst(%arg6 : memref<768x128xf32, #tpu.memory_space<vmem>>)
    "tpu.region"() ({
      %run_scoped3A = tpu.sem_alloc : memref<!tpu.dma_semaphore, #tpu.memory_space<semaphore_mem>>
      %dma_start3A_19 = arith.constant 0 : i32
      %dma_start3A_20 = tpu.memref_slice %arg4[%add3A_12, %dma_start3A_19] : memref<49152x128xf32, #tpu.memory_space<hbm>> -> memref<768x128xf32, #tpu.memory_space<hbm>>
      %dma_start3A_21 = arith.constant 0 : i32
      %dma_start3A_22 = tpu.memref_slice %arg4[%add3A_12, %dma_start3A_21] : memref<49152x128xf32, #tpu.memory_space<hbm>> -> memref<768x128xf32, #tpu.memory_space<hbm>>
      tpu.enqueue_dma source(%arg6 : memref<768x128xf32, #tpu.memory_space<vmem>>) target(%dma_start3A_22 : memref<768x128xf32, #tpu.memory_space<hbm>>) target_semaphore(%run_scoped3A : memref<!tpu.dma_semaphore, #tpu.memory_space<semaphore_mem>>)
      %dma_wait3A_23 = arith.constant 0 : i32
      %dma_wait3A_24 = tpu.memref_slice %arg4[%add3A_12, %dma_wait3A_23] : memref<49152x128xf32, #tpu.memory_space<hbm>> -> memref<768x128xf32, #tpu.memory_space<hbm>>
      %dma_wait3A_25 = arith.constant 0 : i32
      %dma_wait3A_26 = tpu.memref_slice %arg4[%add3A_12, %dma_wait3A_25] : memref<49152x128xf32, #tpu.memory_space<hbm>> -> memref<768x128xf32, #tpu.memory_space<hbm>>
      tpu.wait_dma2 semaphore(%run_scoped3A : memref<!tpu.dma_semaphore, #tpu.memory_space<semaphore_mem>>) src(%arg6 : memref<768x128xf32, #tpu.memory_space<vmem>>) dst(%dma_wait3A_26 : memref<768x128xf32, #tpu.memory_space<hbm>>)
      tpu.yield
    }) : () -> ()
    return
  }
}

module attributes {stable_mosaic.version = 14 : i64} {
  func.func @_knn_idx_body(%arg0: i32, %arg1: i32, %arg2: memref<1x2x4096xf32, #tpu.memory_space<vmem>>, %arg3: memref<1x4096x4xf32, #tpu.memory_space<vmem>>, %arg4: memref<2x32xf32, #tpu.memory_space<vmem>>, %arg5: memref<2x32xf32, #tpu.memory_space<vmem>>, %arg6: memref<512x3xi32, #tpu.memory_space<vmem>>, %arg7: memref<512x128xf32, #tpu.memory_space<vmem>>, %arg8: memref<512x32xf32, #tpu.memory_space<vmem>>) attributes {dimension_semantics = [#tpu.dimension_semantics<arbitrary>, #tpu.dimension_semantics<arbitrary>], iteration_bounds = array<i64: 4, 8>, scalar_prefetch = 0 : i64, scratch_operands = 0 : i64, tpu.core_type = #tpu.core_type<tc>, window_params = [{transform_indices = @transform_0, window_bounds = array<i64: 1, 2, 4096>}, {transform_indices = @transform_1, window_bounds = array<i64: 1, 4096, 4>}, {pipeline_mode = #tpu.pipeline_mode<synchronous>, transform_indices = @transform_2, window_bounds = array<i64: 2, 32>}, {pipeline_mode = #tpu.pipeline_mode<synchronous>, transform_indices = @transform_3, window_bounds = array<i64: 2, 32>}, {transform_indices = @transform_4, window_bounds = array<i64: 512, 3>}, {transform_indices = @transform_5, window_bounds = array<i64: 512, 128>}, {transform_indices = @transform_6, window_bounds = array<i64: 512, 32>}]} {
    %get3A = arith.constant 0 : index
    %get3A_0 = arith.constant 0 : index
    %get3A_1 = arith.constant 0 : index
    %get3A_2 = vector.load %arg2[%get3A, %get3A_0, %get3A_1] : memref<1x2x4096xf32, #tpu.memory_space<vmem>>, vector<1x1x4096xf32>
    %get3A_3 = vector.shape_cast %get3A_2 : vector<1x1x4096xf32> to vector<1x4096xf32>
    %get3A_4 = arith.constant 0 : index
    %get3A_5 = arith.constant 1 : index
    %get3A_6 = arith.constant 0 : index
    %get3A_7 = vector.load %arg2[%get3A_4, %get3A_5, %get3A_6] : memref<1x2x4096xf32, #tpu.memory_space<vmem>>, vector<1x1x4096xf32>
    %get3A_8 = vector.shape_cast %get3A_7 : vector<1x1x4096xf32> to vector<1x4096xf32>
    %mul3A = arith.constant 512 : i32
    %mul3A_9 = arith.muli %arg1, %mul3A : i32
    %get3A_10 = arith.constant 0 : index
    %get3A_11 = arith.index_cast %mul3A_9 : i32 to index
    %get3A_12 = arith.constant 0 : index
    %get3A_13 = vector.load %arg3[%get3A_10, %get3A_11, %get3A_12] : memref<1x4096x4xf32, #tpu.memory_space<vmem>>, vector<1x512x4xf32>
    %get3A_14 = vector.shape_cast %get3A_13 : vector<1x512x4xf32> to vector<512x4xf32>
    %slice3A = vector.extract_strided_slice %get3A_14 {offsets = [0, 0], sizes = [512, 2], strides = [1, 1]} : vector<512x4xf32> to vector<512x2xf32>
    %slice3A_15 = vector.extract_strided_slice %slice3A {offsets = [0, 0], sizes = [512, 1], strides = [1, 1]} : vector<512x2xf32> to vector<512x1xf32>
    %slice3A_16 = vector.extract_strided_slice %slice3A {offsets = [0, 1], sizes = [512, 1], strides = [1, 1]} : vector<512x2xf32> to vector<512x1xf32>
    %get3A_17 = arith.constant 0 : index
    %get3A_18 = arith.constant 0 : index
    %get3A_19 = vector.load %arg4[%get3A_17, %get3A_18] : memref<2x32xf32, #tpu.memory_space<vmem>>, vector<2x32xf32>
    %dot_general3A = arith.constant dense<0.000000e+00> : vector<512x32xf32>
    %dot_general3A_20 = tpu.matmul %slice3A, %get3A_19, %dot_general3A {dimension_numbers = #tpu.dot_dimension_numbers<[1], [0], [0], [1], [0, 0, 1, 1], [], []>, transpose_lhs_hint = false} : vector<512x2xf32>, vector<2x32xf32>, vector<512x32xf32> -> vector<512x32xf32>
    %swap3A = arith.constant 0 : index
    %swap3A_21 = arith.constant 0 : index
    %swap3A_22 = vector.load %arg7[%swap3A, %swap3A_21] : memref<512x128xf32, #tpu.memory_space<vmem>>, vector<512x32xf32>
    tpu.vector_store %arg7[%swap3A, %swap3A_21], %dot_general3A_20 {strides = array<i32>} : memref<512x128xf32, #tpu.memory_space<vmem>>, vector<512x32xf32>,
    %broadcast_in_dim3A = arith.constant 0.000000e+00 : f32
    %broadcast_in_dim3A_23 = vector.broadcast %broadcast_in_dim3A : f32 to vector<512x96xf32>
    %swap3A_24 = arith.constant 0 : index
    %swap3A_25 = arith.constant 32 : index
    %swap3A_26 = vector.load %arg7[%swap3A_24, %swap3A_25] : memref<512x128xf32, #tpu.memory_space<vmem>>, vector<512x96xf32>
    tpu.vector_store %arg7[%swap3A_24, %swap3A_25], %broadcast_in_dim3A_23 {strides = array<i32>} : memref<512x128xf32, #tpu.memory_space<vmem>>, vector<512x96xf32>,
    %get3A_27 = arith.constant 0 : index
    %get3A_28 = arith.constant 0 : index
    %get3A_29 = vector.load %arg5[%get3A_27, %get3A_28] : memref<2x32xf32, #tpu.memory_space<vmem>>, vector<2x32xf32>
    %dot_general3A_30 = arith.constant dense<0.000000e+00> : vector<512x32xf32>
    %dot_general3A_31 = tpu.matmul %slice3A, %get3A_29, %dot_general3A_30 {dimension_numbers = #tpu.dot_dimension_numbers<[1], [0], [0], [1], [0, 0, 1, 1], [], []>, transpose_lhs_hint = false} : vector<512x2xf32>, vector<2x32xf32>, vector<512x32xf32> -> vector<512x32xf32>
    %swap3A_32 = arith.constant 0 : index
    %swap3A_33 = arith.constant 0 : index
    %swap3A_34 = vector.load %arg8[%swap3A_32, %swap3A_33] : memref<512x32xf32, #tpu.memory_space<vmem>>, vector<512x32xf32>
    tpu.vector_store %arg8[%swap3A_32, %swap3A_33], %dot_general3A_31 {strides = array<i32>} : memref<512x32xf32, #tpu.memory_space<vmem>>, vector<512x32xf32>,
    %mul3A_35 = arith.mulf %get3A_3, %get3A_3 : vector<1x4096xf32>
    %mul3A_36 = arith.mulf %get3A_8, %get3A_8 : vector<1x4096xf32>
    %add3A = arith.addf %mul3A_35, %mul3A_36 : vector<1x4096xf32>
    %mul3A_37 = arith.mulf %slice3A_15, %slice3A_15 : vector<512x1xf32>
    %mul3A_38 = arith.mulf %slice3A_16, %slice3A_16 : vector<512x1xf32>
    %add3A_39 = arith.addf %mul3A_37, %mul3A_38 : vector<512x1xf32>
    %mul3A_40 = arith.constant -2.000000e+00 : f32
    %mul3A_41 = vector.broadcast %mul3A_40 : f32 to vector<512x2xf32>
    %mul3A_42 = arith.mulf %mul3A_41, %slice3A : vector<512x2xf32>
    %get3A_43 = arith.constant 0 : index
    %get3A_44 = arith.constant 0 : index
    %get3A_45 = arith.constant 0 : index
    %get3A_46 = vector.load %arg2[%get3A_43, %get3A_44, %get3A_45] : memref<1x2x4096xf32, #tpu.memory_space<vmem>>, vector<1x2x4096xf32>
    %get3A_47 = vector.shape_cast %get3A_46 : vector<1x2x4096xf32> to vector<2x4096xf32>
    %dot_general3A_48 = arith.constant dense<0.000000e+00> : vector<512x4096xf32>
    %dot_general3A_49 = tpu.matmul %mul3A_42, %get3A_47, %dot_general3A_48 {dimension_numbers = #tpu.dot_dimension_numbers<[1], [0], [0], [1], [0, 0, 1, 1], [], []>, transpose_lhs_hint = false} : vector<512x2xf32>, vector<2x4096xf32>, vector<512x4096xf32> -> vector<512x4096xf32>
    %sub3A = arith.constant 0.000000e+00 : f32
    %sub3A_50 = vector.broadcast %sub3A : f32 to vector<1x4096xf32>
    %sub3A_51 = arith.subf %sub3A_50, %add3A : vector<1x4096xf32>
    %broadcast_in_dim3A_52 = arith.constant 0xFF800000 : f32
    %broadcast_in_dim3A_53 = vector.broadcast %broadcast_in_dim3A_52 : f32 to vector<512x128xf32>
    %slice3A_54 = vector.extract_strided_slice %sub3A_51 {offsets = [0, 0], sizes = [1, 128], strides = [1, 1]} : vector<1x4096xf32> to vector<1x128xf32>
    %slice3A_55 = vector.extract_strided_slice %dot_general3A_49 {offsets = [0, 0], sizes = [512, 128], strides = [1, 1]} : vector<512x4096xf32> to vector<512x128xf32>
    %sub3A_56 = vector.broadcast %slice3A_54 : vector<1x128xf32> to vector<512x128xf32>
    %sub3A_57 = arith.subf %sub3A_56, %slice3A_55 : vector<512x128xf32>
    %sub3A_58 = vector.broadcast %add3A_39 : vector<512x1xf32> to vector<512x128xf32>
    %sub3A_59 = arith.subf %sub3A_57, %sub3A_58 : vector<512x128xf32>
    %min3A = arith.minimumf %broadcast_in_dim3A_53, %sub3A_59 : vector<512x128xf32>
    %max3A = arith.maximumf %broadcast_in_dim3A_53, %sub3A_59 : vector<512x128xf32>
    %min3A_60 = arith.minimumf %broadcast_in_dim3A_53, %min3A : vector<512x128xf32>
    %max3A_61 = arith.maximumf %broadcast_in_dim3A_53, %min3A : vector<512x128xf32>
    %min3A_62 = arith.minimumf %broadcast_in_dim3A_53, %min3A_60 : vector<512x128xf32>
    %max3A_63 = arith.maximumf %broadcast_in_dim3A_53, %min3A_60 : vector<512x128xf32>
    %max3A_64 = arith.maximumf %broadcast_in_dim3A_53, %min3A_62 : vector<512x128xf32>
    %slice3A_65 = vector.extract_strided_slice %sub3A_51 {offsets = [0, 128], sizes = [1, 128], strides = [1, 1]} : vector<1x4096xf32> to vector<1x128xf32>
    %slice3A_66 = vector.extract_strided_slice %dot_general3A_49 {offsets = [0, 128], sizes = [512, 128], strides = [1, 1]} : vector<512x4096xf32> to vector<512x128xf32>
    %sub3A_67 = vector.broadcast %slice3A_65 : vector<1x128xf32> to vector<512x128xf32>
    %sub3A_68 = arith.subf %sub3A_67, %slice3A_66 : vector<512x128xf32>
    %sub3A_69 = vector.broadcast %add3A_39 : vector<512x1xf32> to vector<512x128xf32>
    %sub3A_70 = arith.subf %sub3A_68, %sub3A_69 : vector<512x128xf32>
    %min3A_71 = arith.minimumf %max3A, %sub3A_70 : vector<512x128xf32>
    %max3A_72 = arith.maximumf %max3A, %sub3A_70 : vector<512x128xf32>
    %min3A_73 = arith.minimumf %max3A_61, %min3A_71 : vector<512x128xf32>
    %max3A_74 = arith.maximumf %max3A_61, %min3A_71 : vector<512x128xf32>
    %min3A_75 = arith.minimumf %max3A_63, %min3A_73 : vector<512x128xf32>
    %max3A_76 = arith.maximumf %max3A_63, %min3A_73 : vector<512x128xf32>
    %max3A_77 = arith.maximumf %max3A_64, %min3A_75 : vector<512x128xf32>
    %slice3A_78 = vector.extract_strided_slice %sub3A_51 {offsets = [0, 256], sizes = [1, 128], strides = [1, 1]} : vector<1x4096xf32> to vector<1x128xf32>
    %slice3A_79 = vector.extract_strided_slice %dot_general3A_49 {offsets = [0, 256], sizes = [512, 128], strides = [1, 1]} : vector<512x4096xf32> to vector<512x128xf32>
    %sub3A_80 = vector.broadcast %slice3A_78 : vector<1x128xf32> to vector<512x128xf32>
    %sub3A_81 = arith.subf %sub3A_80, %slice3A_79 : vector<512x128xf32>
    %sub3A_82 = vector.broadcast %add3A_39 : vector<512x1xf32> to vector<512x128xf32>
    %sub3A_83 = arith.subf %sub3A_81, %sub3A_82 : vector<512x128xf32>
    %min3A_84 = arith.minimumf %max3A_72, %sub3A_83 : vector<512x128xf32>
    %max3A_85 = arith.maximumf %max3A_72, %sub3A_83 : vector<512x128xf32>
    %min3A_86 = arith.minimumf %max3A_74, %min3A_84 : vector<512x128xf32>
    %max3A_87 = arith.maximumf %max3A_74, %min3A_84 : vector<512x128xf32>
    %min3A_88 = arith.minimumf %max3A_76, %min3A_86 : vector<512x128xf32>
    %max3A_89 = arith.maximumf %max3A_76, %min3A_86 : vector<512x128xf32>
    %max3A_90 = arith.maximumf %max3A_77, %min3A_88 : vector<512x128xf32>
    %slice3A_91 = vector.extract_strided_slice %sub3A_51 {offsets = [0, 384], sizes = [1, 128], strides = [1, 1]} : vector<1x4096xf32> to vector<1x128xf32>
    %slice3A_92 = vector.extract_strided_slice %dot_general3A_49 {offsets = [0, 384], sizes = [512, 128], strides = [1, 1]} : vector<512x4096xf32> to vector<512x128xf32>
    %sub3A_93 = vector.broadcast %slice3A_91 : vector<1x128xf32> to vector<512x128xf32>
    %sub3A_94 = arith.subf %sub3A_93, %slice3A_92 : vector<512x128xf32>
    %sub3A_95 = vector.broadcast %add3A_39 : vector<512x1xf32> to vector<512x128xf32>
    %sub3A_96 = arith.subf %sub3A_94, %sub3A_95 : vector<512x128xf32>
    %min3A_97 = arith.minimumf %max3A_85, %sub3A_96 : vector<512x128xf32>
    %max3A_98 = arith.maximumf %max3A_85, %sub3A_96 : vector<512x128xf32>
    %min3A_99 = arith.minimumf %max3A_87, %min3A_97 : vector<512x128xf32>
    %max3A_100 = arith.maximumf %max3A_87, %min3A_97 : vector<512x128xf32>
    %min3A_101 = arith.minimumf %max3A_89, %min3A_99 : vector<512x128xf32>
    %max3A_102 = arith.maximumf %max3A_89, %min3A_99 : vector<512x128xf32>
    %max3A_103 = arith.maximumf %max3A_90, %min3A_101 : vector<512x128xf32>
    %slice3A_104 = vector.extract_strided_slice %sub3A_51 {offsets = [0, 512], sizes = [1, 128], strides = [1, 1]} : vector<1x4096xf32> to vector<1x128xf32>
    %slice3A_105 = vector.extract_strided_slice %dot_general3A_49 {offsets = [0, 512], sizes = [512, 128], strides = [1, 1]} : vector<512x4096xf32> to vector<512x128xf32>
    %sub3A_106 = vector.broadcast %slice3A_104 : vector<1x128xf32> to vector<512x128xf32>
    %sub3A_107 = arith.subf %sub3A_106, %slice3A_105 : vector<512x128xf32>
    %sub3A_108 = vector.broadcast %add3A_39 : vector<512x1xf32> to vector<512x128xf32>
    %sub3A_109 = arith.subf %sub3A_107, %sub3A_108 : vector<512x128xf32>
    %min3A_110 = arith.minimumf %max3A_98, %sub3A_109 : vector<512x128xf32>
    %max3A_111 = arith.maximumf %max3A_98, %sub3A_109 : vector<512x128xf32>
    %min3A_112 = arith.minimumf %max3A_100, %min3A_110 : vector<512x128xf32>
    %max3A_113 = arith.maximumf %max3A_100, %min3A_110 : vector<512x128xf32>
    %min3A_114 = arith.minimumf %max3A_102, %min3A_112 : vector<512x128xf32>
    %max3A_115 = arith.maximumf %max3A_102, %min3A_112 : vector<512x128xf32>
    %max3A_116 = arith.maximumf %max3A_103, %min3A_114 : vector<512x128xf32>
    %slice3A_117 = vector.extract_strided_slice %sub3A_51 {offsets = [0, 640], sizes = [1, 128], strides = [1, 1]} : vector<1x4096xf32> to vector<1x128xf32>
    %slice3A_118 = vector.extract_strided_slice %dot_general3A_49 {offsets = [0, 640], sizes = [512, 128], strides = [1, 1]} : vector<512x4096xf32> to vector<512x128xf32>
    %sub3A_119 = vector.broadcast %slice3A_117 : vector<1x128xf32> to vector<512x128xf32>
    %sub3A_120 = arith.subf %sub3A_119, %slice3A_118 : vector<512x128xf32>
    %sub3A_121 = vector.broadcast %add3A_39 : vector<512x1xf32> to vector<512x128xf32>
    %sub3A_122 = arith.subf %sub3A_120, %sub3A_121 : vector<512x128xf32>
    %min3A_123 = arith.minimumf %max3A_111, %sub3A_122 : vector<512x128xf32>
    %max3A_124 = arith.maximumf %max3A_111, %sub3A_122 : vector<512x128xf32>
    %min3A_125 = arith.minimumf %max3A_113, %min3A_123 : vector<512x128xf32>
    %max3A_126 = arith.maximumf %max3A_113, %min3A_123 : vector<512x128xf32>
    %min3A_127 = arith.minimumf %max3A_115, %min3A_125 : vector<512x128xf32>
    %max3A_128 = arith.maximumf %max3A_115, %min3A_125 : vector<512x128xf32>
    %max3A_129 = arith.maximumf %max3A_116, %min3A_127 : vector<512x128xf32>
    %slice3A_130 = vector.extract_strided_slice %sub3A_51 {offsets = [0, 768], sizes = [1, 128], strides = [1, 1]} : vector<1x4096xf32> to vector<1x128xf32>
    %slice3A_131 = vector.extract_strided_slice %dot_general3A_49 {offsets = [0, 768], sizes = [512, 128], strides = [1, 1]} : vector<512x4096xf32> to vector<512x128xf32>
    %sub3A_132 = vector.broadcast %slice3A_130 : vector<1x128xf32> to vector<512x128xf32>
    %sub3A_133 = arith.subf %sub3A_132, %slice3A_131 : vector<512x128xf32>
    %sub3A_134 = vector.broadcast %add3A_39 : vector<512x1xf32> to vector<512x128xf32>
    %sub3A_135 = arith.subf %sub3A_133, %sub3A_134 : vector<512x128xf32>
    %min3A_136 = arith.minimumf %max3A_124, %sub3A_135 : vector<512x128xf32>
    %max3A_137 = arith.maximumf %max3A_124, %sub3A_135 : vector<512x128xf32>
    %min3A_138 = arith.minimumf %max3A_126, %min3A_136 : vector<512x128xf32>
    %max3A_139 = arith.maximumf %max3A_126, %min3A_136 : vector<512x128xf32>
    %min3A_140 = arith.minimumf %max3A_128, %min3A_138 : vector<512x128xf32>
    %max3A_141 = arith.maximumf %max3A_128, %min3A_138 : vector<512x128xf32>
    %max3A_142 = arith.maximumf %max3A_129, %min3A_140 : vector<512x128xf32>
    %slice3A_143 = vector.extract_strided_slice %sub3A_51 {offsets = [0, 896], sizes = [1, 128], strides = [1, 1]} : vector<1x4096xf32> to vector<1x128xf32>
    %slice3A_144 = vector.extract_strided_slice %dot_general3A_49 {offsets = [0, 896], sizes = [512, 128], strides = [1, 1]} : vector<512x4096xf32> to vector<512x128xf32>
    %sub3A_145 = vector.broadcast %slice3A_143 : vector<1x128xf32> to vector<512x128xf32>
    %sub3A_146 = arith.subf %sub3A_145, %slice3A_144 : vector<512x128xf32>
    %sub3A_147 = vector.broadcast %add3A_39 : vector<512x1xf32> to vector<512x128xf32>
    %sub3A_148 = arith.subf %sub3A_146, %sub3A_147 : vector<512x128xf32>
    %min3A_149 = arith.minimumf %max3A_137, %sub3A_148 : vector<512x128xf32>
    %max3A_150 = arith.maximumf %max3A_137, %sub3A_148 : vector<512x128xf32>
    %min3A_151 = arith.minimumf %max3A_139, %min3A_149 : vector<512x128xf32>
    %max3A_152 = arith.maximumf %max3A_139, %min3A_149 : vector<512x128xf32>
    %min3A_153 = arith.minimumf %max3A_141, %min3A_151 : vector<512x128xf32>
    %max3A_154 = arith.maximumf %max3A_141, %min3A_151 : vector<512x128xf32>
    %max3A_155 = arith.maximumf %max3A_142, %min3A_153 : vector<512x128xf32>
    %slice3A_156 = vector.extract_strided_slice %sub3A_51 {offsets = [0, 1024], sizes = [1, 128], strides = [1, 1]} : vector<1x4096xf32> to vector<1x128xf32>
    %slice3A_157 = vector.extract_strided_slice %dot_general3A_49 {offsets = [0, 1024], sizes = [512, 128], strides = [1, 1]} : vector<512x4096xf32> to vector<512x128xf32>
    %sub3A_158 = vector.broadcast %slice3A_156 : vector<1x128xf32> to vector<512x128xf32>
    %sub3A_159 = arith.subf %sub3A_158, %slice3A_157 : vector<512x128xf32>
    %sub3A_160 = vector.broadcast %add3A_39 : vector<512x1xf32> to vector<512x128xf32>
    %sub3A_161 = arith.subf %sub3A_159, %sub3A_160 : vector<512x128xf32>
    %min3A_162 = arith.minimumf %max3A_150, %sub3A_161 : vector<512x128xf32>
    %max3A_163 = arith.maximumf %max3A_150, %sub3A_161 : vector<512x128xf32>
    %min3A_164 = arith.minimumf %max3A_152, %min3A_162 : vector<512x128xf32>
    %max3A_165 = arith.maximumf %max3A_152, %min3A_162 : vector<512x128xf32>
    %min3A_166 = arith.minimumf %max3A_154, %min3A_164 : vector<512x128xf32>
    %max3A_167 = arith.maximumf %max3A_154, %min3A_164 : vector<512x128xf32>
    %max3A_168 = arith.maximumf %max3A_155, %min3A_166 : vector<512x128xf32>
    %slice3A_169 = vector.extract_strided_slice %sub3A_51 {offsets = [0, 1152], sizes = [1, 128], strides = [1, 1]} : vector<1x4096xf32> to vector<1x128xf32>
    %slice3A_170 = vector.extract_strided_slice %dot_general3A_49 {offsets = [0, 1152], sizes = [512, 128], strides = [1, 1]} : vector<512x4096xf32> to vector<512x128xf32>
    %sub3A_171 = vector.broadcast %slice3A_169 : vector<1x128xf32> to vector<512x128xf32>
    %sub3A_172 = arith.subf %sub3A_171, %slice3A_170 : vector<512x128xf32>
    %sub3A_173 = vector.broadcast %add3A_39 : vector<512x1xf32> to vector<512x128xf32>
    %sub3A_174 = arith.subf %sub3A_172, %sub3A_173 : vector<512x128xf32>
    %min3A_175 = arith.minimumf %max3A_163, %sub3A_174 : vector<512x128xf32>
    %max3A_176 = arith.maximumf %max3A_163, %sub3A_174 : vector<512x128xf32>
    %min3A_177 = arith.minimumf %max3A_165, %min3A_175 : vector<512x128xf32>
    %max3A_178 = arith.maximumf %max3A_165, %min3A_175 : vector<512x128xf32>
    %min3A_179 = arith.minimumf %max3A_167, %min3A_177 : vector<512x128xf32>
    %max3A_180 = arith.maximumf %max3A_167, %min3A_177 : vector<512x128xf32>
    %max3A_181 = arith.maximumf %max3A_168, %min3A_179 : vector<512x128xf32>
    %slice3A_182 = vector.extract_strided_slice %sub3A_51 {offsets = [0, 1280], sizes = [1, 128], strides = [1, 1]} : vector<1x4096xf32> to vector<1x128xf32>
    %slice3A_183 = vector.extract_strided_slice %dot_general3A_49 {offsets = [0, 1280], sizes = [512, 128], strides = [1, 1]} : vector<512x4096xf32> to vector<512x128xf32>
    %sub3A_184 = vector.broadcast %slice3A_182 : vector<1x128xf32> to vector<512x128xf32>
    %sub3A_185 = arith.subf %sub3A_184, %slice3A_183 : vector<512x128xf32>
    %sub3A_186 = vector.broadcast %add3A_39 : vector<512x1xf32> to vector<512x128xf32>
    %sub3A_187 = arith.subf %sub3A_185, %sub3A_186 : vector<512x128xf32>
    %min3A_188 = arith.minimumf %max3A_176, %sub3A_187 : vector<512x128xf32>
    %max3A_189 = arith.maximumf %max3A_176, %sub3A_187 : vector<512x128xf32>
    %min3A_190 = arith.minimumf %max3A_178, %min3A_188 : vector<512x128xf32>
    %max3A_191 = arith.maximumf %max3A_178, %min3A_188 : vector<512x128xf32>
    %min3A_192 = arith.minimumf %max3A_180, %min3A_190 : vector<512x128xf32>
    %max3A_193 = arith.maximumf %max3A_180, %min3A_190 : vector<512x128xf32>
    %max3A_194 = arith.maximumf %max3A_181, %min3A_192 : vector<512x128xf32>
    %slice3A_195 = vector.extract_strided_slice %sub3A_51 {offsets = [0, 1408], sizes = [1, 128], strides = [1, 1]} : vector<1x4096xf32> to vector<1x128xf32>
    %slice3A_196 = vector.extract_strided_slice %dot_general3A_49 {offsets = [0, 1408], sizes = [512, 128], strides = [1, 1]} : vector<512x4096xf32> to vector<512x128xf32>
    %sub3A_197 = vector.broadcast %slice3A_195 : vector<1x128xf32> to vector<512x128xf32>
    %sub3A_198 = arith.subf %sub3A_197, %slice3A_196 : vector<512x128xf32>
    %sub3A_199 = vector.broadcast %add3A_39 : vector<512x1xf32> to vector<512x128xf32>
    %sub3A_200 = arith.subf %sub3A_198, %sub3A_199 : vector<512x128xf32>
    %min3A_201 = arith.minimumf %max3A_189, %sub3A_200 : vector<512x128xf32>
    %max3A_202 = arith.maximumf %max3A_189, %sub3A_200 : vector<512x128xf32>
    %min3A_203 = arith.minimumf %max3A_191, %min3A_201 : vector<512x128xf32>
    %max3A_204 = arith.maximumf %max3A_191, %min3A_201 : vector<512x128xf32>
    %min3A_205 = arith.minimumf %max3A_193, %min3A_203 : vector<512x128xf32>
    %max3A_206 = arith.maximumf %max3A_193, %min3A_203 : vector<512x128xf32>
    %max3A_207 = arith.maximumf %max3A_194, %min3A_205 : vector<512x128xf32>
    %slice3A_208 = vector.extract_strided_slice %sub3A_51 {offsets = [0, 1536], sizes = [1, 128], strides = [1, 1]} : vector<1x4096xf32> to vector<1x128xf32>
    %slice3A_209 = vector.extract_strided_slice %dot_general3A_49 {offsets = [0, 1536], sizes = [512, 128], strides = [1, 1]} : vector<512x4096xf32> to vector<512x128xf32>
    %sub3A_210 = vector.broadcast %slice3A_208 : vector<1x128xf32> to vector<512x128xf32>
    %sub3A_211 = arith.subf %sub3A_210, %slice3A_209 : vector<512x128xf32>
    %sub3A_212 = vector.broadcast %add3A_39 : vector<512x1xf32> to vector<512x128xf32>
    %sub3A_213 = arith.subf %sub3A_211, %sub3A_212 : vector<512x128xf32>
    %min3A_214 = arith.minimumf %max3A_202, %sub3A_213 : vector<512x128xf32>
    %max3A_215 = arith.maximumf %max3A_202, %sub3A_213 : vector<512x128xf32>
    %min3A_216 = arith.minimumf %max3A_204, %min3A_214 : vector<512x128xf32>
    %max3A_217 = arith.maximumf %max3A_204, %min3A_214 : vector<512x128xf32>
    %min3A_218 = arith.minimumf %max3A_206, %min3A_216 : vector<512x128xf32>
    %max3A_219 = arith.maximumf %max3A_206, %min3A_216 : vector<512x128xf32>
    %max3A_220 = arith.maximumf %max3A_207, %min3A_218 : vector<512x128xf32>
    %slice3A_221 = vector.extract_strided_slice %sub3A_51 {offsets = [0, 1664], sizes = [1, 128], strides = [1, 1]} : vector<1x4096xf32> to vector<1x128xf32>
    %slice3A_222 = vector.extract_strided_slice %dot_general3A_49 {offsets = [0, 1664], sizes = [512, 128], strides = [1, 1]} : vector<512x4096xf32> to vector<512x128xf32>
    %sub3A_223 = vector.broadcast %slice3A_221 : vector<1x128xf32> to vector<512x128xf32>
    %sub3A_224 = arith.subf %sub3A_223, %slice3A_222 : vector<512x128xf32>
    %sub3A_225 = vector.broadcast %add3A_39 : vector<512x1xf32> to vector<512x128xf32>
    %sub3A_226 = arith.subf %sub3A_224, %sub3A_225 : vector<512x128xf32>
    %min3A_227 = arith.minimumf %max3A_215, %sub3A_226 : vector<512x128xf32>
    %max3A_228 = arith.maximumf %max3A_215, %sub3A_226 : vector<512x128xf32>
    %min3A_229 = arith.minimumf %max3A_217, %min3A_227 : vector<512x128xf32>
    %max3A_230 = arith.maximumf %max3A_217, %min3A_227 : vector<512x128xf32>
    %min3A_231 = arith.minimumf %max3A_219, %min3A_229 : vector<512x128xf32>
    %max3A_232 = arith.maximumf %max3A_219, %min3A_229 : vector<512x128xf32>
    %max3A_233 = arith.maximumf %max3A_220, %min3A_231 : vector<512x128xf32>
    %slice3A_234 = vector.extract_strided_slice %sub3A_51 {offsets = [0, 1792], sizes = [1, 128], strides = [1, 1]} : vector<1x4096xf32> to vector<1x128xf32>
    %slice3A_235 = vector.extract_strided_slice %dot_general3A_49 {offsets = [0, 1792], sizes = [512, 128], strides = [1, 1]} : vector<512x4096xf32> to vector<512x128xf32>
    %sub3A_236 = vector.broadcast %slice3A_234 : vector<1x128xf32> to vector<512x128xf32>
    %sub3A_237 = arith.subf %sub3A_236, %slice3A_235 : vector<512x128xf32>
    %sub3A_238 = vector.broadcast %add3A_39 : vector<512x1xf32> to vector<512x128xf32>
    %sub3A_239 = arith.subf %sub3A_237, %sub3A_238 : vector<512x128xf32>
    %min3A_240 = arith.minimumf %max3A_228, %sub3A_239 : vector<512x128xf32>
    %max3A_241 = arith.maximumf %max3A_228, %sub3A_239 : vector<512x128xf32>
    %min3A_242 = arith.minimumf %max3A_230, %min3A_240 : vector<512x128xf32>
    %max3A_243 = arith.maximumf %max3A_230, %min3A_240 : vector<512x128xf32>
    %min3A_244 = arith.minimumf %max3A_232, %min3A_242 : vector<512x128xf32>
    %max3A_245 = arith.maximumf %max3A_232, %min3A_242 : vector<512x128xf32>
    %max3A_246 = arith.maximumf %max3A_233, %min3A_244 : vector<512x128xf32>
    %slice3A_247 = vector.extract_strided_slice %sub3A_51 {offsets = [0, 1920], sizes = [1, 128], strides = [1, 1]} : vector<1x4096xf32> to vector<1x128xf32>
    %slice3A_248 = vector.extract_strided_slice %dot_general3A_49 {offsets = [0, 1920], sizes = [512, 128], strides = [1, 1]} : vector<512x4096xf32> to vector<512x128xf32>
    %sub3A_249 = vector.broadcast %slice3A_247 : vector<1x128xf32> to vector<512x128xf32>
    %sub3A_250 = arith.subf %sub3A_249, %slice3A_248 : vector<512x128xf32>
    %sub3A_251 = vector.broadcast %add3A_39 : vector<512x1xf32> to vector<512x128xf32>
    %sub3A_252 = arith.subf %sub3A_250, %sub3A_251 : vector<512x128xf32>
    %min3A_253 = arith.minimumf %max3A_241, %sub3A_252 : vector<512x128xf32>
    %max3A_254 = arith.maximumf %max3A_241, %sub3A_252 : vector<512x128xf32>
    %min3A_255 = arith.minimumf %max3A_243, %min3A_253 : vector<512x128xf32>
    %max3A_256 = arith.maximumf %max3A_243, %min3A_253 : vector<512x128xf32>
    %min3A_257 = arith.minimumf %max3A_245, %min3A_255 : vector<512x128xf32>
    %max3A_258 = arith.maximumf %max3A_245, %min3A_255 : vector<512x128xf32>
    %max3A_259 = arith.maximumf %max3A_246, %min3A_257 : vector<512x128xf32>
    %slice3A_260 = vector.extract_strided_slice %sub3A_51 {offsets = [0, 2048], sizes = [1, 128], strides = [1, 1]} : vector<1x4096xf32> to vector<1x128xf32>
    %slice3A_261 = vector.extract_strided_slice %dot_general3A_49 {offsets = [0, 2048], sizes = [512, 128], strides = [1, 1]} : vector<512x4096xf32> to vector<512x128xf32>
    %sub3A_262 = vector.broadcast %slice3A_260 : vector<1x128xf32> to vector<512x128xf32>
    %sub3A_263 = arith.subf %sub3A_262, %slice3A_261 : vector<512x128xf32>
    %sub3A_264 = vector.broadcast %add3A_39 : vector<512x1xf32> to vector<512x128xf32>
    %sub3A_265 = arith.subf %sub3A_263, %sub3A_264 : vector<512x128xf32>
    %min3A_266 = arith.minimumf %max3A_254, %sub3A_265 : vector<512x128xf32>
    %max3A_267 = arith.maximumf %max3A_254, %sub3A_265 : vector<512x128xf32>
    %min3A_268 = arith.minimumf %max3A_256, %min3A_266 : vector<512x128xf32>
    %max3A_269 = arith.maximumf %max3A_256, %min3A_266 : vector<512x128xf32>
    %min3A_270 = arith.minimumf %max3A_258, %min3A_268 : vector<512x128xf32>
    %max3A_271 = arith.maximumf %max3A_258, %min3A_268 : vector<512x128xf32>
    %max3A_272 = arith.maximumf %max3A_259, %min3A_270 : vector<512x128xf32>
    %slice3A_273 = vector.extract_strided_slice %sub3A_51 {offsets = [0, 2176], sizes = [1, 128], strides = [1, 1]} : vector<1x4096xf32> to vector<1x128xf32>
    %slice3A_274 = vector.extract_strided_slice %dot_general3A_49 {offsets = [0, 2176], sizes = [512, 128], strides = [1, 1]} : vector<512x4096xf32> to vector<512x128xf32>
    %sub3A_275 = vector.broadcast %slice3A_273 : vector<1x128xf32> to vector<512x128xf32>
    %sub3A_276 = arith.subf %sub3A_275, %slice3A_274 : vector<512x128xf32>
    %sub3A_277 = vector.broadcast %add3A_39 : vector<512x1xf32> to vector<512x128xf32>
    %sub3A_278 = arith.subf %sub3A_276, %sub3A_277 : vector<512x128xf32>
    %min3A_279 = arith.minimumf %max3A_267, %sub3A_278 : vector<512x128xf32>
    %max3A_280 = arith.maximumf %max3A_267, %sub3A_278 : vector<512x128xf32>
    %min3A_281 = arith.minimumf %max3A_269, %min3A_279 : vector<512x128xf32>
    %max3A_282 = arith.maximumf %max3A_269, %min3A_279 : vector<512x128xf32>
    %min3A_283 = arith.minimumf %max3A_271, %min3A_281 : vector<512x128xf32>
    %max3A_284 = arith.maximumf %max3A_271, %min3A_281 : vector<512x128xf32>
    %max3A_285 = arith.maximumf %max3A_272, %min3A_283 : vector<512x128xf32>
    %slice3A_286 = vector.extract_strided_slice %sub3A_51 {offsets = [0, 2304], sizes = [1, 128], strides = [1, 1]} : vector<1x4096xf32> to vector<1x128xf32>
    %slice3A_287 = vector.extract_strided_slice %dot_general3A_49 {offsets = [0, 2304], sizes = [512, 128], strides = [1, 1]} : vector<512x4096xf32> to vector<512x128xf32>
    %sub3A_288 = vector.broadcast %slice3A_286 : vector<1x128xf32> to vector<512x128xf32>
    %sub3A_289 = arith.subf %sub3A_288, %slice3A_287 : vector<512x128xf32>
    %sub3A_290 = vector.broadcast %add3A_39 : vector<512x1xf32> to vector<512x128xf32>
    %sub3A_291 = arith.subf %sub3A_289, %sub3A_290 : vector<512x128xf32>
    %min3A_292 = arith.minimumf %max3A_280, %sub3A_291 : vector<512x128xf32>
    %max3A_293 = arith.maximumf %max3A_280, %sub3A_291 : vector<512x128xf32>
    %min3A_294 = arith.minimumf %max3A_282, %min3A_292 : vector<512x128xf32>
    %max3A_295 = arith.maximumf %max3A_282, %min3A_292 : vector<512x128xf32>
    %min3A_296 = arith.minimumf %max3A_284, %min3A_294 : vector<512x128xf32>
    %max3A_297 = arith.maximumf %max3A_284, %min3A_294 : vector<512x128xf32>
    %max3A_298 = arith.maximumf %max3A_285, %min3A_296 : vector<512x128xf32>
    %slice3A_299 = vector.extract_strided_slice %sub3A_51 {offsets = [0, 2432], sizes = [1, 128], strides = [1, 1]} : vector<1x4096xf32> to vector<1x128xf32>
    %slice3A_300 = vector.extract_strided_slice %dot_general3A_49 {offsets = [0, 2432], sizes = [512, 128], strides = [1, 1]} : vector<512x4096xf32> to vector<512x128xf32>
    %sub3A_301 = vector.broadcast %slice3A_299 : vector<1x128xf32> to vector<512x128xf32>
    %sub3A_302 = arith.subf %sub3A_301, %slice3A_300 : vector<512x128xf32>
    %sub3A_303 = vector.broadcast %add3A_39 : vector<512x1xf32> to vector<512x128xf32>
    %sub3A_304 = arith.subf %sub3A_302, %sub3A_303 : vector<512x128xf32>
    %min3A_305 = arith.minimumf %max3A_293, %sub3A_304 : vector<512x128xf32>
    %max3A_306 = arith.maximumf %max3A_293, %sub3A_304 : vector<512x128xf32>
    %min3A_307 = arith.minimumf %max3A_295, %min3A_305 : vector<512x128xf32>
    %max3A_308 = arith.maximumf %max3A_295, %min3A_305 : vector<512x128xf32>
    %min3A_309 = arith.minimumf %max3A_297, %min3A_307 : vector<512x128xf32>
    %max3A_310 = arith.maximumf %max3A_297, %min3A_307 : vector<512x128xf32>
    %max3A_311 = arith.maximumf %max3A_298, %min3A_309 : vector<512x128xf32>
    %slice3A_312 = vector.extract_strided_slice %sub3A_51 {offsets = [0, 2560], sizes = [1, 128], strides = [1, 1]} : vector<1x4096xf32> to vector<1x128xf32>
    %slice3A_313 = vector.extract_strided_slice %dot_general3A_49 {offsets = [0, 2560], sizes = [512, 128], strides = [1, 1]} : vector<512x4096xf32> to vector<512x128xf32>
    %sub3A_314 = vector.broadcast %slice3A_312 : vector<1x128xf32> to vector<512x128xf32>
    %sub3A_315 = arith.subf %sub3A_314, %slice3A_313 : vector<512x128xf32>
    %sub3A_316 = vector.broadcast %add3A_39 : vector<512x1xf32> to vector<512x128xf32>
    %sub3A_317 = arith.subf %sub3A_315, %sub3A_316 : vector<512x128xf32>
    %min3A_318 = arith.minimumf %max3A_306, %sub3A_317 : vector<512x128xf32>
    %max3A_319 = arith.maximumf %max3A_306, %sub3A_317 : vector<512x128xf32>
    %min3A_320 = arith.minimumf %max3A_308, %min3A_318 : vector<512x128xf32>
    %max3A_321 = arith.maximumf %max3A_308, %min3A_318 : vector<512x128xf32>
    %min3A_322 = arith.minimumf %max3A_310, %min3A_320 : vector<512x128xf32>
    %max3A_323 = arith.maximumf %max3A_310, %min3A_320 : vector<512x128xf32>
    %max3A_324 = arith.maximumf %max3A_311, %min3A_322 : vector<512x128xf32>
    %slice3A_325 = vector.extract_strided_slice %sub3A_51 {offsets = [0, 2688], sizes = [1, 128], strides = [1, 1]} : vector<1x4096xf32> to vector<1x128xf32>
    %slice3A_326 = vector.extract_strided_slice %dot_general3A_49 {offsets = [0, 2688], sizes = [512, 128], strides = [1, 1]} : vector<512x4096xf32> to vector<512x128xf32>
    %sub3A_327 = vector.broadcast %slice3A_325 : vector<1x128xf32> to vector<512x128xf32>
    %sub3A_328 = arith.subf %sub3A_327, %slice3A_326 : vector<512x128xf32>
    %sub3A_329 = vector.broadcast %add3A_39 : vector<512x1xf32> to vector<512x128xf32>
    %sub3A_330 = arith.subf %sub3A_328, %sub3A_329 : vector<512x128xf32>
    %min3A_331 = arith.minimumf %max3A_319, %sub3A_330 : vector<512x128xf32>
    %max3A_332 = arith.maximumf %max3A_319, %sub3A_330 : vector<512x128xf32>
    %min3A_333 = arith.minimumf %max3A_321, %min3A_331 : vector<512x128xf32>
    %max3A_334 = arith.maximumf %max3A_321, %min3A_331 : vector<512x128xf32>
    %min3A_335 = arith.minimumf %max3A_323, %min3A_333 : vector<512x128xf32>
    %max3A_336 = arith.maximumf %max3A_323, %min3A_333 : vector<512x128xf32>
    %max3A_337 = arith.maximumf %max3A_324, %min3A_335 : vector<512x128xf32>
    %slice3A_338 = vector.extract_strided_slice %sub3A_51 {offsets = [0, 2816], sizes = [1, 128], strides = [1, 1]} : vector<1x4096xf32> to vector<1x128xf32>
    %slice3A_339 = vector.extract_strided_slice %dot_general3A_49 {offsets = [0, 2816], sizes = [512, 128], strides = [1, 1]} : vector<512x4096xf32> to vector<512x128xf32>
    %sub3A_340 = vector.broadcast %slice3A_338 : vector<1x128xf32> to vector<512x128xf32>
    %sub3A_341 = arith.subf %sub3A_340, %slice3A_339 : vector<512x128xf32>
    %sub3A_342 = vector.broadcast %add3A_39 : vector<512x1xf32> to vector<512x128xf32>
    %sub3A_343 = arith.subf %sub3A_341, %sub3A_342 : vector<512x128xf32>
    %min3A_344 = arith.minimumf %max3A_332, %sub3A_343 : vector<512x128xf32>
    %max3A_345 = arith.maximumf %max3A_332, %sub3A_343 : vector<512x128xf32>
    %min3A_346 = arith.minimumf %max3A_334, %min3A_344 : vector<512x128xf32>
    %max3A_347 = arith.maximumf %max3A_334, %min3A_344 : vector<512x128xf32>
    %min3A_348 = arith.minimumf %max3A_336, %min3A_346 : vector<512x128xf32>
    %max3A_349 = arith.maximumf %max3A_336, %min3A_346 : vector<512x128xf32>
    %max3A_350 = arith.maximumf %max3A_337, %min3A_348 : vector<512x128xf32>
    %slice3A_351 = vector.extract_strided_slice %sub3A_51 {offsets = [0, 2944], sizes = [1, 128], strides = [1, 1]} : vector<1x4096xf32> to vector<1x128xf32>
    %slice3A_352 = vector.extract_strided_slice %dot_general3A_49 {offsets = [0, 2944], sizes = [512, 128], strides = [1, 1]} : vector<512x4096xf32> to vector<512x128xf32>
    %sub3A_353 = vector.broadcast %slice3A_351 : vector<1x128xf32> to vector<512x128xf32>
    %sub3A_354 = arith.subf %sub3A_353, %slice3A_352 : vector<512x128xf32>
    %sub3A_355 = vector.broadcast %add3A_39 : vector<512x1xf32> to vector<512x128xf32>
    %sub3A_356 = arith.subf %sub3A_354, %sub3A_355 : vector<512x128xf32>
    %min3A_357 = arith.minimumf %max3A_345, %sub3A_356 : vector<512x128xf32>
    %max3A_358 = arith.maximumf %max3A_345, %sub3A_356 : vector<512x128xf32>
    %min3A_359 = arith.minimumf %max3A_347, %min3A_357 : vector<512x128xf32>
    %max3A_360 = arith.maximumf %max3A_347, %min3A_357 : vector<512x128xf32>
    %min3A_361 = arith.minimumf %max3A_349, %min3A_359 : vector<512x128xf32>
    %max3A_362 = arith.maximumf %max3A_349, %min3A_359 : vector<512x128xf32>
    %max3A_363 = arith.maximumf %max3A_350, %min3A_361 : vector<512x128xf32>
    %slice3A_364 = vector.extract_strided_slice %sub3A_51 {offsets = [0, 3072], sizes = [1, 128], strides = [1, 1]} : vector<1x4096xf32> to vector<1x128xf32>
    %slice3A_365 = vector.extract_strided_slice %dot_general3A_49 {offsets = [0, 3072], sizes = [512, 128], strides = [1, 1]} : vector<512x4096xf32> to vector<512x128xf32>
    %sub3A_366 = vector.broadcast %slice3A_364 : vector<1x128xf32> to vector<512x128xf32>
    %sub3A_367 = arith.subf %sub3A_366, %slice3A_365 : vector<512x128xf32>
    %sub3A_368 = vector.broadcast %add3A_39 : vector<512x1xf32> to vector<512x128xf32>
    %sub3A_369 = arith.subf %sub3A_367, %sub3A_368 : vector<512x128xf32>
    %min3A_370 = arith.minimumf %max3A_358, %sub3A_369 : vector<512x128xf32>
    %max3A_371 = arith.maximumf %max3A_358, %sub3A_369 : vector<512x128xf32>
    %min3A_372 = arith.minimumf %max3A_360, %min3A_370 : vector<512x128xf32>
    %max3A_373 = arith.maximumf %max3A_360, %min3A_370 : vector<512x128xf32>
    %min3A_374 = arith.minimumf %max3A_362, %min3A_372 : vector<512x128xf32>
    %max3A_375 = arith.maximumf %max3A_362, %min3A_372 : vector<512x128xf32>
    %max3A_376 = arith.maximumf %max3A_363, %min3A_374 : vector<512x128xf32>
    %slice3A_377 = vector.extract_strided_slice %sub3A_51 {offsets = [0, 3200], sizes = [1, 128], strides = [1, 1]} : vector<1x4096xf32> to vector<1x128xf32>
    %slice3A_378 = vector.extract_strided_slice %dot_general3A_49 {offsets = [0, 3200], sizes = [512, 128], strides = [1, 1]} : vector<512x4096xf32> to vector<512x128xf32>
    %sub3A_379 = vector.broadcast %slice3A_377 : vector<1x128xf32> to vector<512x128xf32>
    %sub3A_380 = arith.subf %sub3A_379, %slice3A_378 : vector<512x128xf32>
    %sub3A_381 = vector.broadcast %add3A_39 : vector<512x1xf32> to vector<512x128xf32>
    %sub3A_382 = arith.subf %sub3A_380, %sub3A_381 : vector<512x128xf32>
    %min3A_383 = arith.minimumf %max3A_371, %sub3A_382 : vector<512x128xf32>
    %max3A_384 = arith.maximumf %max3A_371, %sub3A_382 : vector<512x128xf32>
    %min3A_385 = arith.minimumf %max3A_373, %min3A_383 : vector<512x128xf32>
    %max3A_386 = arith.maximumf %max3A_373, %min3A_383 : vector<512x128xf32>
    %min3A_387 = arith.minimumf %max3A_375, %min3A_385 : vector<512x128xf32>
    %max3A_388 = arith.maximumf %max3A_375, %min3A_385 : vector<512x128xf32>
    %max3A_389 = arith.maximumf %max3A_376, %min3A_387 : vector<512x128xf32>
    %slice3A_390 = vector.extract_strided_slice %sub3A_51 {offsets = [0, 3328], sizes = [1, 128], strides = [1, 1]} : vector<1x4096xf32> to vector<1x128xf32>
    %slice3A_391 = vector.extract_strided_slice %dot_general3A_49 {offsets = [0, 3328], sizes = [512, 128], strides = [1, 1]} : vector<512x4096xf32> to vector<512x128xf32>
    %sub3A_392 = vector.broadcast %slice3A_390 : vector<1x128xf32> to vector<512x128xf32>
    %sub3A_393 = arith.subf %sub3A_392, %slice3A_391 : vector<512x128xf32>
    %sub3A_394 = vector.broadcast %add3A_39 : vector<512x1xf32> to vector<512x128xf32>
    %sub3A_395 = arith.subf %sub3A_393, %sub3A_394 : vector<512x128xf32>
    %min3A_396 = arith.minimumf %max3A_384, %sub3A_395 : vector<512x128xf32>
    %max3A_397 = arith.maximumf %max3A_384, %sub3A_395 : vector<512x128xf32>
    %min3A_398 = arith.minimumf %max3A_386, %min3A_396 : vector<512x128xf32>
    %max3A_399 = arith.maximumf %max3A_386, %min3A_396 : vector<512x128xf32>
    %min3A_400 = arith.minimumf %max3A_388, %min3A_398 : vector<512x128xf32>
    %max3A_401 = arith.maximumf %max3A_388, %min3A_398 : vector<512x128xf32>
    %max3A_402 = arith.maximumf %max3A_389, %min3A_400 : vector<512x128xf32>
    %slice3A_403 = vector.extract_strided_slice %sub3A_51 {offsets = [0, 3456], sizes = [1, 128], strides = [1, 1]} : vector<1x4096xf32> to vector<1x128xf32>
    %slice3A_404 = vector.extract_strided_slice %dot_general3A_49 {offsets = [0, 3456], sizes = [512, 128], strides = [1, 1]} : vector<512x4096xf32> to vector<512x128xf32>
    %sub3A_405 = vector.broadcast %slice3A_403 : vector<1x128xf32> to vector<512x128xf32>
    %sub3A_406 = arith.subf %sub3A_405, %slice3A_404 : vector<512x128xf32>
    %sub3A_407 = vector.broadcast %add3A_39 : vector<512x1xf32> to vector<512x128xf32>
    %sub3A_408 = arith.subf %sub3A_406, %sub3A_407 : vector<512x128xf32>
    %min3A_409 = arith.minimumf %max3A_397, %sub3A_408 : vector<512x128xf32>
    %max3A_410 = arith.maximumf %max3A_397, %sub3A_408 : vector<512x128xf32>
    %min3A_411 = arith.minimumf %max3A_399, %min3A_409 : vector<512x128xf32>
    %max3A_412 = arith.maximumf %max3A_399, %min3A_409 : vector<512x128xf32>
    %min3A_413 = arith.minimumf %max3A_401, %min3A_411 : vector<512x128xf32>
    %max3A_414 = arith.maximumf %max3A_401, %min3A_411 : vector<512x128xf32>
    %max3A_415 = arith.maximumf %max3A_402, %min3A_413 : vector<512x128xf32>
    %slice3A_416 = vector.extract_strided_slice %sub3A_51 {offsets = [0, 3584], sizes = [1, 128], strides = [1, 1]} : vector<1x4096xf32> to vector<1x128xf32>
    %slice3A_417 = vector.extract_strided_slice %dot_general3A_49 {offsets = [0, 3584], sizes = [512, 128], strides = [1, 1]} : vector<512x4096xf32> to vector<512x128xf32>
    %sub3A_418 = vector.broadcast %slice3A_416 : vector<1x128xf32> to vector<512x128xf32>
    %sub3A_419 = arith.subf %sub3A_418, %slice3A_417 : vector<512x128xf32>
    %sub3A_420 = vector.broadcast %add3A_39 : vector<512x1xf32> to vector<512x128xf32>
    %sub3A_421 = arith.subf %sub3A_419, %sub3A_420 : vector<512x128xf32>
    %min3A_422 = arith.minimumf %max3A_410, %sub3A_421 : vector<512x128xf32>
    %max3A_423 = arith.maximumf %max3A_410, %sub3A_421 : vector<512x128xf32>
    %min3A_424 = arith.minimumf %max3A_412, %min3A_422 : vector<512x128xf32>
    %max3A_425 = arith.maximumf %max3A_412, %min3A_422 : vector<512x128xf32>
    %min3A_426 = arith.minimumf %max3A_414, %min3A_424 : vector<512x128xf32>
    %max3A_427 = arith.maximumf %max3A_414, %min3A_424 : vector<512x128xf32>
    %max3A_428 = arith.maximumf %max3A_415, %min3A_426 : vector<512x128xf32>
    %slice3A_429 = vector.extract_strided_slice %sub3A_51 {offsets = [0, 3712], sizes = [1, 128], strides = [1, 1]} : vector<1x4096xf32> to vector<1x128xf32>
    %slice3A_430 = vector.extract_strided_slice %dot_general3A_49 {offsets = [0, 3712], sizes = [512, 128], strides = [1, 1]} : vector<512x4096xf32> to vector<512x128xf32>
    %sub3A_431 = vector.broadcast %slice3A_429 : vector<1x128xf32> to vector<512x128xf32>
    %sub3A_432 = arith.subf %sub3A_431, %slice3A_430 : vector<512x128xf32>
    %sub3A_433 = vector.broadcast %add3A_39 : vector<512x1xf32> to vector<512x128xf32>
    %sub3A_434 = arith.subf %sub3A_432, %sub3A_433 : vector<512x128xf32>
    %min3A_435 = arith.minimumf %max3A_423, %sub3A_434 : vector<512x128xf32>
    %max3A_436 = arith.maximumf %max3A_423, %sub3A_434 : vector<512x128xf32>
    %min3A_437 = arith.minimumf %max3A_425, %min3A_435 : vector<512x128xf32>
    %max3A_438 = arith.maximumf %max3A_425, %min3A_435 : vector<512x128xf32>
    %min3A_439 = arith.minimumf %max3A_427, %min3A_437 : vector<512x128xf32>
    %max3A_440 = arith.maximumf %max3A_427, %min3A_437 : vector<512x128xf32>
    %max3A_441 = arith.maximumf %max3A_428, %min3A_439 : vector<512x128xf32>
    %slice3A_442 = vector.extract_strided_slice %sub3A_51 {offsets = [0, 3840], sizes = [1, 128], strides = [1, 1]} : vector<1x4096xf32> to vector<1x128xf32>
    %slice3A_443 = vector.extract_strided_slice %dot_general3A_49 {offsets = [0, 3840], sizes = [512, 128], strides = [1, 1]} : vector<512x4096xf32> to vector<512x128xf32>
    %sub3A_444 = vector.broadcast %slice3A_442 : vector<1x128xf32> to vector<512x128xf32>
    %sub3A_445 = arith.subf %sub3A_444, %slice3A_443 : vector<512x128xf32>
    %sub3A_446 = vector.broadcast %add3A_39 : vector<512x1xf32> to vector<512x128xf32>
    %sub3A_447 = arith.subf %sub3A_445, %sub3A_446 : vector<512x128xf32>
    %min3A_448 = arith.minimumf %max3A_436, %sub3A_447 : vector<512x128xf32>
    %max3A_449 = arith.maximumf %max3A_436, %sub3A_447 : vector<512x128xf32>
    %min3A_450 = arith.minimumf %max3A_438, %min3A_448 : vector<512x128xf32>
    %max3A_451 = arith.maximumf %max3A_438, %min3A_448 : vector<512x128xf32>
    %min3A_452 = arith.minimumf %max3A_440, %min3A_450 : vector<512x128xf32>
    %max3A_453 = arith.maximumf %max3A_440, %min3A_450 : vector<512x128xf32>
    %max3A_454 = arith.maximumf %max3A_441, %min3A_452 : vector<512x128xf32>
    %slice3A_455 = vector.extract_strided_slice %sub3A_51 {offsets = [0, 3968], sizes = [1, 128], strides = [1, 1]} : vector<1x4096xf32> to vector<1x128xf32>
    %slice3A_456 = vector.extract_strided_slice %dot_general3A_49 {offsets = [0, 3968], sizes = [512, 128], strides = [1, 1]} : vector<512x4096xf32> to vector<512x128xf32>
    %sub3A_457 = vector.broadcast %slice3A_455 : vector<1x128xf32> to vector<512x128xf32>
    %sub3A_458 = arith.subf %sub3A_457, %slice3A_456 : vector<512x128xf32>
    %sub3A_459 = vector.broadcast %add3A_39 : vector<512x1xf32> to vector<512x128xf32>
    %sub3A_460 = arith.subf %sub3A_458, %sub3A_459 : vector<512x128xf32>
    %min3A_461 = arith.minimumf %max3A_449, %sub3A_460 : vector<512x128xf32>
    %max3A_462 = arith.maximumf %max3A_449, %sub3A_460 : vector<512x128xf32>
    %min3A_463 = arith.minimumf %max3A_451, %min3A_461 : vector<512x128xf32>
    %max3A_464 = arith.maximumf %max3A_451, %min3A_461 : vector<512x128xf32>
    %min3A_465 = arith.minimumf %max3A_453, %min3A_463 : vector<512x128xf32>
    %max3A_466 = arith.maximumf %max3A_453, %min3A_463 : vector<512x128xf32>
    %max3A_467 = arith.maximumf %max3A_454, %min3A_465 : vector<512x128xf32>
    %slice3A_468 = vector.extract_strided_slice %max3A_462 {offsets = [0, 0], sizes = [512, 64], strides = [1, 1]} : vector<512x128xf32> to vector<512x64xf32>
    %slice3A_469 = vector.extract_strided_slice %max3A_462 {offsets = [0, 64], sizes = [512, 64], strides = [1, 1]} : vector<512x128xf32> to vector<512x64xf32>
    %slice3A_470 = vector.extract_strided_slice %max3A_464 {offsets = [0, 0], sizes = [512, 64], strides = [1, 1]} : vector<512x128xf32> to vector<512x64xf32>
    %slice3A_471 = vector.extract_strided_slice %max3A_464 {offsets = [0, 64], sizes = [512, 64], strides = [1, 1]} : vector<512x128xf32> to vector<512x64xf32>
    %slice3A_472 = vector.extract_strided_slice %max3A_466 {offsets = [0, 0], sizes = [512, 64], strides = [1, 1]} : vector<512x128xf32> to vector<512x64xf32>
    %slice3A_473 = vector.extract_strided_slice %max3A_466 {offsets = [0, 64], sizes = [512, 64], strides = [1, 1]} : vector<512x128xf32> to vector<512x64xf32>
    %slice3A_474 = vector.extract_strided_slice %max3A_467 {offsets = [0, 0], sizes = [512, 64], strides = [1, 1]} : vector<512x128xf32> to vector<512x64xf32>
    %slice3A_475 = vector.extract_strided_slice %max3A_467 {offsets = [0, 64], sizes = [512, 64], strides = [1, 1]} : vector<512x128xf32> to vector<512x64xf32>
    %max3A_476 = arith.maximumf %slice3A_468, %slice3A_469 : vector<512x64xf32>
    %min3A_477 = arith.minimumf %slice3A_468, %slice3A_469 : vector<512x64xf32>
    %max3A_478 = arith.maximumf %slice3A_470, %slice3A_471 : vector<512x64xf32>
    %max3A_479 = arith.maximumf %min3A_477, %max3A_478 : vector<512x64xf32>
    %min3A_480 = arith.minimumf %min3A_477, %max3A_478 : vector<512x64xf32>
    %min3A_481 = arith.minimumf %slice3A_470, %slice3A_471 : vector<512x64xf32>
    %max3A_482 = arith.maximumf %slice3A_472, %slice3A_473 : vector<512x64xf32>
    %max3A_483 = arith.maximumf %min3A_481, %max3A_482 : vector<512x64xf32>
    %max3A_484 = arith.maximumf %min3A_480, %max3A_483 : vector<512x64xf32>
    %max3A_485 = arith.maximumf %slice3A_475, %slice3A_474 : vector<512x64xf32>
    %min3A_486 = arith.minimumf %slice3A_468, %slice3A_473 : vector<512x64xf32>
    %min3A_487 = arith.minimumf %slice3A_470, %slice3A_471 : vector<512x64xf32>
    %min3A_488 = arith.minimumf %slice3A_472, %slice3A_469 : vector<512x64xf32>
    %max3A_489 = arith.maximumf %min3A_487, %min3A_488 : vector<512x64xf32>
    %max3A_490 = arith.maximumf %min3A_486, %max3A_489 : vector<512x64xf32>
    %max3A_491 = arith.maximumf %max3A_485, %max3A_490 : vector<512x64xf32>
    %slice3A_492 = vector.extract_strided_slice %max3A_476 {offsets = [0, 0], sizes = [512, 32], strides = [1, 1]} : vector<512x64xf32> to vector<512x32xf32>
    %slice3A_493 = vector.extract_strided_slice %max3A_476 {offsets = [0, 32], sizes = [512, 32], strides = [1, 1]} : vector<512x64xf32> to vector<512x32xf32>
    %slice3A_494 = vector.extract_strided_slice %max3A_479 {offsets = [0, 0], sizes = [512, 32], strides = [1, 1]} : vector<512x64xf32> to vector<512x32xf32>
    %slice3A_495 = vector.extract_strided_slice %max3A_479 {offsets = [0, 32], sizes = [512, 32], strides = [1, 1]} : vector<512x64xf32> to vector<512x32xf32>
    %slice3A_496 = vector.extract_strided_slice %max3A_484 {offsets = [0, 0], sizes = [512, 32], strides = [1, 1]} : vector<512x64xf32> to vector<512x32xf32>
    %slice3A_497 = vector.extract_strided_slice %max3A_484 {offsets = [0, 32], sizes = [512, 32], strides = [1, 1]} : vector<512x64xf32> to vector<512x32xf32>
    %slice3A_498 = vector.extract_strided_slice %max3A_491 {offsets = [0, 0], sizes = [512, 32], strides = [1, 1]} : vector<512x64xf32> to vector<512x32xf32>
    %slice3A_499 = vector.extract_strided_slice %max3A_491 {offsets = [0, 32], sizes = [512, 32], strides = [1, 1]} : vector<512x64xf32> to vector<512x32xf32>
    %max3A_500 = arith.maximumf %slice3A_492, %slice3A_493 : vector<512x32xf32>
    %min3A_501 = arith.minimumf %slice3A_492, %slice3A_493 : vector<512x32xf32>
    %max3A_502 = arith.maximumf %slice3A_494, %slice3A_495 : vector<512x32xf32>
    %max3A_503 = arith.maximumf %min3A_501, %max3A_502 : vector<512x32xf32>
    %min3A_504 = arith.minimumf %min3A_501, %max3A_502 : vector<512x32xf32>
    %min3A_505 = arith.minimumf %slice3A_494, %slice3A_495 : vector<512x32xf32>
    %max3A_506 = arith.maximumf %slice3A_496, %slice3A_497 : vector<512x32xf32>
    %max3A_507 = arith.maximumf %min3A_505, %max3A_506 : vector<512x32xf32>
    %max3A_508 = arith.maximumf %min3A_504, %max3A_507 : vector<512x32xf32>
    %max3A_509 = arith.maximumf %slice3A_499, %slice3A_498 : vector<512x32xf32>
    %min3A_510 = arith.minimumf %slice3A_492, %slice3A_497 : vector<512x32xf32>
    %min3A_511 = arith.minimumf %slice3A_494, %slice3A_495 : vector<512x32xf32>
    %min3A_512 = arith.minimumf %slice3A_496, %slice3A_493 : vector<512x32xf32>
    %max3A_513 = arith.maximumf %min3A_511, %min3A_512 : vector<512x32xf32>
    %max3A_514 = arith.maximumf %min3A_510, %max3A_513 : vector<512x32xf32>
    %max3A_515 = arith.maximumf %max3A_509, %max3A_514 : vector<512x32xf32>
    %slice3A_516 = vector.extract_strided_slice %max3A_500 {offsets = [0, 0], sizes = [512, 16], strides = [1, 1]} : vector<512x32xf32> to vector<512x16xf32>
    %slice3A_517 = vector.extract_strided_slice %max3A_500 {offsets = [0, 16], sizes = [512, 16], strides = [1, 1]} : vector<512x32xf32> to vector<512x16xf32>
    %slice3A_518 = vector.extract_strided_slice %max3A_503 {offsets = [0, 0], sizes = [512, 16], strides = [1, 1]} : vector<512x32xf32> to vector<512x16xf32>
    %slice3A_519 = vector.extract_strided_slice %max3A_503 {offsets = [0, 16], sizes = [512, 16], strides = [1, 1]} : vector<512x32xf32> to vector<512x16xf32>
    %slice3A_520 = vector.extract_strided_slice %max3A_508 {offsets = [0, 0], sizes = [512, 16], strides = [1, 1]} : vector<512x32xf32> to vector<512x16xf32>
    %slice3A_521 = vector.extract_strided_slice %max3A_508 {offsets = [0, 16], sizes = [512, 16], strides = [1, 1]} : vector<512x32xf32> to vector<512x16xf32>
    %slice3A_522 = vector.extract_strided_slice %max3A_515 {offsets = [0, 0], sizes = [512, 16], strides = [1, 1]} : vector<512x32xf32> to vector<512x16xf32>
    %slice3A_523 = vector.extract_strided_slice %max3A_515 {offsets = [0, 16], sizes = [512, 16], strides = [1, 1]} : vector<512x32xf32> to vector<512x16xf32>
    %max3A_524 = arith.maximumf %slice3A_516, %slice3A_517 : vector<512x16xf32>
    %min3A_525 = arith.minimumf %slice3A_516, %slice3A_517 : vector<512x16xf32>
    %max3A_526 = arith.maximumf %slice3A_518, %slice3A_519 : vector<512x16xf32>
    %max3A_527 = arith.maximumf %min3A_525, %max3A_526 : vector<512x16xf32>
    %min3A_528 = arith.minimumf %min3A_525, %max3A_526 : vector<512x16xf32>
    %min3A_529 = arith.minimumf %slice3A_518, %slice3A_519 : vector<512x16xf32>
    %max3A_530 = arith.maximumf %slice3A_520, %slice3A_521 : vector<512x16xf32>
    %max3A_531 = arith.maximumf %min3A_529, %max3A_530 : vector<512x16xf32>
    %max3A_532 = arith.maximumf %min3A_528, %max3A_531 : vector<512x16xf32>
    %max3A_533 = arith.maximumf %slice3A_523, %slice3A_522 : vector<512x16xf32>
    %min3A_534 = arith.minimumf %slice3A_516, %slice3A_521 : vector<512x16xf32>
    %min3A_535 = arith.minimumf %slice3A_518, %slice3A_519 : vector<512x16xf32>
    %min3A_536 = arith.minimumf %slice3A_520, %slice3A_517 : vector<512x16xf32>
    %max3A_537 = arith.maximumf %min3A_535, %min3A_536 : vector<512x16xf32>
    %max3A_538 = arith.maximumf %min3A_534, %max3A_537 : vector<512x16xf32>
    %max3A_539 = arith.maximumf %max3A_533, %max3A_538 : vector<512x16xf32>
    %slice3A_540 = vector.extract_strided_slice %max3A_524 {offsets = [0, 0], sizes = [512, 8], strides = [1, 1]} : vector<512x16xf32> to vector<512x8xf32>
    %slice3A_541 = vector.extract_strided_slice %max3A_524 {offsets = [0, 8], sizes = [512, 8], strides = [1, 1]} : vector<512x16xf32> to vector<512x8xf32>
    %slice3A_542 = vector.extract_strided_slice %max3A_527 {offsets = [0, 0], sizes = [512, 8], strides = [1, 1]} : vector<512x16xf32> to vector<512x8xf32>
    %slice3A_543 = vector.extract_strided_slice %max3A_527 {offsets = [0, 8], sizes = [512, 8], strides = [1, 1]} : vector<512x16xf32> to vector<512x8xf32>
    %slice3A_544 = vector.extract_strided_slice %max3A_532 {offsets = [0, 0], sizes = [512, 8], strides = [1, 1]} : vector<512x16xf32> to vector<512x8xf32>
    %slice3A_545 = vector.extract_strided_slice %max3A_532 {offsets = [0, 8], sizes = [512, 8], strides = [1, 1]} : vector<512x16xf32> to vector<512x8xf32>
    %slice3A_546 = vector.extract_strided_slice %max3A_539 {offsets = [0, 0], sizes = [512, 8], strides = [1, 1]} : vector<512x16xf32> to vector<512x8xf32>
    %slice3A_547 = vector.extract_strided_slice %max3A_539 {offsets = [0, 8], sizes = [512, 8], strides = [1, 1]} : vector<512x16xf32> to vector<512x8xf32>
    %max3A_548 = arith.maximumf %slice3A_540, %slice3A_541 : vector<512x8xf32>
    %min3A_549 = arith.minimumf %slice3A_540, %slice3A_541 : vector<512x8xf32>
    %max3A_550 = arith.maximumf %slice3A_542, %slice3A_543 : vector<512x8xf32>
    %max3A_551 = arith.maximumf %min3A_549, %max3A_550 : vector<512x8xf32>
    %min3A_552 = arith.minimumf %min3A_549, %max3A_550 : vector<512x8xf32>
    %min3A_553 = arith.minimumf %slice3A_542, %slice3A_543 : vector<512x8xf32>
    %max3A_554 = arith.maximumf %slice3A_544, %slice3A_545 : vector<512x8xf32>
    %max3A_555 = arith.maximumf %min3A_553, %max3A_554 : vector<512x8xf32>
    %max3A_556 = arith.maximumf %min3A_552, %max3A_555 : vector<512x8xf32>
    %max3A_557 = arith.maximumf %slice3A_547, %slice3A_546 : vector<512x8xf32>
    %min3A_558 = arith.minimumf %slice3A_540, %slice3A_545 : vector<512x8xf32>
    %min3A_559 = arith.minimumf %slice3A_542, %slice3A_543 : vector<512x8xf32>
    %min3A_560 = arith.minimumf %slice3A_544, %slice3A_541 : vector<512x8xf32>
    %max3A_561 = arith.maximumf %min3A_559, %min3A_560 : vector<512x8xf32>
    %max3A_562 = arith.maximumf %min3A_558, %max3A_561 : vector<512x8xf32>
    %max3A_563 = arith.maximumf %max3A_557, %max3A_562 : vector<512x8xf32>
    %slice3A_564 = vector.extract_strided_slice %max3A_548 {offsets = [0, 0], sizes = [512, 4], strides = [1, 1]} : vector<512x8xf32> to vector<512x4xf32>
    %slice3A_565 = vector.extract_strided_slice %max3A_548 {offsets = [0, 4], sizes = [512, 4], strides = [1, 1]} : vector<512x8xf32> to vector<512x4xf32>
    %slice3A_566 = vector.extract_strided_slice %max3A_551 {offsets = [0, 0], sizes = [512, 4], strides = [1, 1]} : vector<512x8xf32> to vector<512x4xf32>
    %slice3A_567 = vector.extract_strided_slice %max3A_551 {offsets = [0, 4], sizes = [512, 4], strides = [1, 1]} : vector<512x8xf32> to vector<512x4xf32>
    %slice3A_568 = vector.extract_strided_slice %max3A_556 {offsets = [0, 0], sizes = [512, 4], strides = [1, 1]} : vector<512x8xf32> to vector<512x4xf32>
    %slice3A_569 = vector.extract_strided_slice %max3A_556 {offsets = [0, 4], sizes = [512, 4], strides = [1, 1]} : vector<512x8xf32> to vector<512x4xf32>
    %slice3A_570 = vector.extract_strided_slice %max3A_563 {offsets = [0, 0], sizes = [512, 4], strides = [1, 1]} : vector<512x8xf32> to vector<512x4xf32>
    %slice3A_571 = vector.extract_strided_slice %max3A_563 {offsets = [0, 4], sizes = [512, 4], strides = [1, 1]} : vector<512x8xf32> to vector<512x4xf32>
    %max3A_572 = arith.maximumf %slice3A_564, %slice3A_565 : vector<512x4xf32>
    %min3A_573 = arith.minimumf %slice3A_564, %slice3A_565 : vector<512x4xf32>
    %max3A_574 = arith.maximumf %slice3A_566, %slice3A_567 : vector<512x4xf32>
    %max3A_575 = arith.maximumf %min3A_573, %max3A_574 : vector<512x4xf32>
    %min3A_576 = arith.minimumf %min3A_573, %max3A_574 : vector<512x4xf32>
    %min3A_577 = arith.minimumf %slice3A_566, %slice3A_567 : vector<512x4xf32>
    %max3A_578 = arith.maximumf %slice3A_568, %slice3A_569 : vector<512x4xf32>
    %max3A_579 = arith.maximumf %min3A_577, %max3A_578 : vector<512x4xf32>
    %max3A_580 = arith.maximumf %min3A_576, %max3A_579 : vector<512x4xf32>
    %max3A_581 = arith.maximumf %slice3A_571, %slice3A_570 : vector<512x4xf32>
    %min3A_582 = arith.minimumf %slice3A_564, %slice3A_569 : vector<512x4xf32>
    %min3A_583 = arith.minimumf %slice3A_566, %slice3A_567 : vector<512x4xf32>
    %min3A_584 = arith.minimumf %slice3A_568, %slice3A_565 : vector<512x4xf32>
    %max3A_585 = arith.maximumf %min3A_583, %min3A_584 : vector<512x4xf32>
    %max3A_586 = arith.maximumf %min3A_582, %max3A_585 : vector<512x4xf32>
    %max3A_587 = arith.maximumf %max3A_581, %max3A_586 : vector<512x4xf32>
    %slice3A_588 = vector.extract_strided_slice %max3A_572 {offsets = [0, 0], sizes = [512, 2], strides = [1, 1]} : vector<512x4xf32> to vector<512x2xf32>
    %slice3A_589 = vector.extract_strided_slice %max3A_572 {offsets = [0, 2], sizes = [512, 2], strides = [1, 1]} : vector<512x4xf32> to vector<512x2xf32>
    %slice3A_590 = vector.extract_strided_slice %max3A_575 {offsets = [0, 0], sizes = [512, 2], strides = [1, 1]} : vector<512x4xf32> to vector<512x2xf32>
    %slice3A_591 = vector.extract_strided_slice %max3A_575 {offsets = [0, 2], sizes = [512, 2], strides = [1, 1]} : vector<512x4xf32> to vector<512x2xf32>
    %slice3A_592 = vector.extract_strided_slice %max3A_580 {offsets = [0, 0], sizes = [512, 2], strides = [1, 1]} : vector<512x4xf32> to vector<512x2xf32>
    %slice3A_593 = vector.extract_strided_slice %max3A_580 {offsets = [0, 2], sizes = [512, 2], strides = [1, 1]} : vector<512x4xf32> to vector<512x2xf32>
    %slice3A_594 = vector.extract_strided_slice %max3A_587 {offsets = [0, 0], sizes = [512, 2], strides = [1, 1]} : vector<512x4xf32> to vector<512x2xf32>
    %slice3A_595 = vector.extract_strided_slice %max3A_587 {offsets = [0, 2], sizes = [512, 2], strides = [1, 1]} : vector<512x4xf32> to vector<512x2xf32>
    %max3A_596 = arith.maximumf %slice3A_588, %slice3A_589 : vector<512x2xf32>
    %min3A_597 = arith.minimumf %slice3A_588, %slice3A_589 : vector<512x2xf32>
    %max3A_598 = arith.maximumf %slice3A_590, %slice3A_591 : vector<512x2xf32>
    %max3A_599 = arith.maximumf %min3A_597, %max3A_598 : vector<512x2xf32>
    %min3A_600 = arith.minimumf %min3A_597, %max3A_598 : vector<512x2xf32>
    %min3A_601 = arith.minimumf %slice3A_590, %slice3A_591 : vector<512x2xf32>
    %max3A_602 = arith.maximumf %slice3A_592, %slice3A_593 : vector<512x2xf32>
    %max3A_603 = arith.maximumf %min3A_601, %max3A_602 : vector<512x2xf32>
    %max3A_604 = arith.maximumf %min3A_600, %max3A_603 : vector<512x2xf32>
    %max3A_605 = arith.maximumf %slice3A_595, %slice3A_594 : vector<512x2xf32>
    %min3A_606 = arith.minimumf %slice3A_588, %slice3A_593 : vector<512x2xf32>
    %min3A_607 = arith.minimumf %slice3A_590, %slice3A_591 : vector<512x2xf32>
    %min3A_608 = arith.minimumf %slice3A_592, %slice3A_589 : vector<512x2xf32>
    %max3A_609 = arith.maximumf %min3A_607, %min3A_608 : vector<512x2xf32>
    %max3A_610 = arith.maximumf %min3A_606, %max3A_609 : vector<512x2xf32>
    %max3A_611 = arith.maximumf %max3A_605, %max3A_610 : vector<512x2xf32>
    %slice3A_612 = vector.extract_strided_slice %max3A_596 {offsets = [0, 0], sizes = [512, 1], strides = [1, 1]} : vector<512x2xf32> to vector<512x1xf32>
    %slice3A_613 = vector.extract_strided_slice %max3A_596 {offsets = [0, 1], sizes = [512, 1], strides = [1, 1]} : vector<512x2xf32> to vector<512x1xf32>
    %slice3A_614 = vector.extract_strided_slice %max3A_599 {offsets = [0, 0], sizes = [512, 1], strides = [1, 1]} : vector<512x2xf32> to vector<512x1xf32>
    %slice3A_615 = vector.extract_strided_slice %max3A_599 {offsets = [0, 1], sizes = [512, 1], strides = [1, 1]} : vector<512x2xf32> to vector<512x1xf32>
    %slice3A_616 = vector.extract_strided_slice %max3A_604 {offsets = [0, 0], sizes = [512, 1], strides = [1, 1]} : vector<512x2xf32> to vector<512x1xf32>
    %slice3A_617 = vector.extract_strided_slice %max3A_604 {offsets = [0, 1], sizes = [512, 1], strides = [1, 1]} : vector<512x2xf32> to vector<512x1xf32>
    %slice3A_618 = vector.extract_strided_slice %max3A_611 {offsets = [0, 0], sizes = [512, 1], strides = [1, 1]} : vector<512x2xf32> to vector<512x1xf32>
    %slice3A_619 = vector.extract_strided_slice %max3A_611 {offsets = [0, 1], sizes = [512, 1], strides = [1, 1]} : vector<512x2xf32> to vector<512x1xf32>
    %max3A_620 = arith.maximumf %slice3A_612, %slice3A_613 : vector<512x1xf32>
    %min3A_621 = arith.minimumf %slice3A_612, %slice3A_613 : vector<512x1xf32>
    %max3A_622 = arith.maximumf %slice3A_614, %slice3A_615 : vector<512x1xf32>
    %max3A_623 = arith.maximumf %min3A_621, %max3A_622 : vector<512x1xf32>
    %min3A_624 = arith.minimumf %min3A_621, %max3A_622 : vector<512x1xf32>
    %min3A_625 = arith.minimumf %slice3A_614, %slice3A_615 : vector<512x1xf32>
    %max3A_626 = arith.maximumf %slice3A_616, %slice3A_617 : vector<512x1xf32>
    %max3A_627 = arith.maximumf %min3A_625, %max3A_626 : vector<512x1xf32>
    %max3A_628 = arith.maximumf %min3A_624, %max3A_627 : vector<512x1xf32>
    %max3A_629 = arith.maximumf %slice3A_619, %slice3A_618 : vector<512x1xf32>
    %min3A_630 = arith.minimumf %slice3A_612, %slice3A_617 : vector<512x1xf32>
    %min3A_631 = arith.minimumf %slice3A_614, %slice3A_615 : vector<512x1xf32>
    %min3A_632 = arith.minimumf %slice3A_616, %slice3A_613 : vector<512x1xf32>
    %max3A_633 = arith.maximumf %min3A_631, %min3A_632 : vector<512x1xf32>
    %max3A_634 = arith.maximumf %min3A_630, %max3A_633 : vector<512x1xf32>
    %max3A_635 = arith.maximumf %max3A_629, %max3A_634 : vector<512x1xf32>
    %mul3A_636 = arith.constant 4096 : i32
    %mul3A_637 = arith.muli %arg0, %mul3A_636 : i32
    %eq3A = arith.cmpf oeq, %max3A_620, %max3A_623 : vector<512x1xf32>
    %eq3A_638 = arith.cmpf oeq, %max3A_623, %max3A_628 : vector<512x1xf32>
    %or3A = arith.ori %eq3A, %eq3A_638 : vector<512x1xi1>
    %eq3A_639 = arith.cmpf oeq, %max3A_628, %max3A_635 : vector<512x1xf32>
    %or3A_640 = arith.ori %or3A, %eq3A_639 : vector<512x1xi1>
    %jit3A = arith.constant 1.000000e+00 : f32
    %jit3A_641 = arith.constant 0.000000e+00 : f32
    %broadcast_in_dim3A_642 = vector.broadcast %jit3A : f32 to vector<512x1xf32>
    %broadcast_in_dim3A_643 = vector.broadcast %jit3A_641 : f32 to vector<512x1xf32>
    %select_n3A = arith.select %or3A_640, %broadcast_in_dim3A_642, %broadcast_in_dim3A_643 : vector<512x1xi1>, vector<512x1xf32>
    %reduce_max3A = vector.shape_cast %select_n3A : vector<512x1xf32> to vector<1x512x1xf32>
    %reduce_max3A_644 = arith.constant dense<0xFF800000> : vector<1xf32>
    %reduce_max3A_645 = vector.multi_reduction <maximumf>, %reduce_max3A, %reduce_max3A_644 [1, 2] : vector<1x512x1xf32> to vector<1xf32>
    %reduce_max3A_646 = vector.shape_cast %reduce_max3A_645 : vector<1xf32> to vector<1x1x1xf32>
    %reduce_max3A_647 = vector.extract %reduce_max3A_646[0, 0, 0] : f32 from vector<1x1x1xf32>
    %gt3A = arith.constant 5.000000e-01 : f32
    %gt3A_648 = arith.cmpf ogt, %reduce_max3A_647, %gt3A : f32
    %iota3A = tpu.iota {dimensions = array<i32: 1>} : vector<512x4096xi32>
    %convert_element_type3A = arith.sitofp %iota3A : vector<512x4096xi32> to vector<512x4096xf32>
    %sub3A_649 = vector.broadcast %sub3A_51 : vector<1x4096xf32> to vector<512x4096xf32>
    %sub3A_650 = arith.subf %sub3A_649, %dot_general3A_49 : vector<512x4096xf32>
    %sub3A_651 = vector.broadcast %add3A_39 : vector<512x1xf32> to vector<512x4096xf32>
    %sub3A_652 = arith.subf %sub3A_650, %sub3A_651 : vector<512x4096xf32>
    %eq3A_653 = vector.broadcast %max3A_620 : vector<512x1xf32> to vector<512x4096xf32>
    %eq3A_654 = arith.cmpf oeq, %sub3A_652, %eq3A_653 : vector<512x4096xf32>
    %jit3A_655 = arith.constant 4.096000e+03 : f32
    %broadcast_in_dim3A_656 = vector.broadcast %jit3A_655 : f32 to vector<512x4096xf32>
    %select_n3A_657 = arith.select %eq3A_654, %convert_element_type3A, %broadcast_in_dim3A_656 : vector<512x4096xi1>, vector<512x4096xf32>
    %reduce_min3A = arith.constant dense<0x7F800000> : vector<512xf32>
    %reduce_min3A_658 = vector.multi_reduction <minimumf>, %select_n3A_657, %reduce_min3A [1] : vector<512x4096xf32> to vector<512xf32>
    %broadcast_in_dim3A_659 = vector.shape_cast %reduce_min3A_658 : vector<512xf32> to vector<512x1xf32>
    %convert_element_type3A_660 = arith.fptosi %broadcast_in_dim3A_659 : vector<512x1xf32> to vector<512x1xi32>
    %add3A_661 = vector.broadcast %mul3A_637 : i32 to vector<512x1xi32>
    %add3A_662 = arith.addi %convert_element_type3A_660, %add3A_661 : vector<512x1xi32>
    %swap3A_663 = arith.constant 0 : index
    %swap3A_664 = arith.constant 0 : index
    %swap3A_665 = vector.load %arg6[%swap3A_663, %swap3A_664] : memref<512x3xi32, #tpu.memory_space<vmem>>, vector<512x1xi32>
    tpu.vector_store %arg6[%swap3A_663, %swap3A_664], %add3A_662 {strides = array<i32>} : memref<512x3xi32, #tpu.memory_space<vmem>>, vector<512x1xi32>,
    %eq3A_666 = vector.broadcast %max3A_623 : vector<512x1xf32> to vector<512x4096xf32>
    %eq3A_667 = arith.cmpf oeq, %sub3A_652, %eq3A_666 : vector<512x4096xf32>
    %jit3A_668 = arith.constant 4.096000e+03 : f32
    %broadcast_in_dim3A_669 = vector.broadcast %jit3A_668 : f32 to vector<512x4096xf32>
    %select_n3A_670 = arith.select %eq3A_667, %convert_element_type3A, %broadcast_in_dim3A_669 : vector<512x4096xi1>, vector<512x4096xf32>
    %reduce_min3A_671 = arith.constant dense<0x7F800000> : vector<512xf32>
    %reduce_min3A_672 = vector.multi_reduction <minimumf>, %select_n3A_670, %reduce_min3A_671 [1] : vector<512x4096xf32> to vector<512xf32>
    %broadcast_in_dim3A_673 = vector.shape_cast %reduce_min3A_672 : vector<512xf32> to vector<512x1xf32>
    %convert_element_type3A_674 = arith.fptosi %broadcast_in_dim3A_673 : vector<512x1xf32> to vector<512x1xi32>
    %add3A_675 = vector.broadcast %mul3A_637 : i32 to vector<512x1xi32>
    %add3A_676 = arith.addi %convert_element_type3A_674, %add3A_675 : vector<512x1xi32>
    %swap3A_677 = arith.constant 0 : index
    %swap3A_678 = arith.constant 1 : index
    %swap3A_679 = vector.load %arg6[%swap3A_677, %swap3A_678] : memref<512x3xi32, #tpu.memory_space<vmem>>, vector<512x1xi32>
    tpu.vector_store %arg6[%swap3A_677, %swap3A_678], %add3A_676 {strides = array<i32>} : memref<512x3xi32, #tpu.memory_space<vmem>>, vector<512x1xi32>,
    %eq3A_680 = vector.broadcast %max3A_628 : vector<512x1xf32> to vector<512x4096xf32>
    %eq3A_681 = arith.cmpf oeq, %sub3A_652, %eq3A_680 : vector<512x4096xf32>
    %jit3A_682 = arith.constant 4.096000e+03 : f32
    %broadcast_in_dim3A_683 = vector.broadcast %jit3A_682 : f32 to vector<512x4096xf32>
    %select_n3A_684 = arith.select %eq3A_681, %convert_element_type3A, %broadcast_in_dim3A_683 : vector<512x4096xi1>, vector<512x4096xf32>
    %reduce_min3A_685 = arith.constant dense<0x7F800000> : vector<512xf32>
    %reduce_min3A_686 = vector.multi_reduction <minimumf>, %select_n3A_684, %reduce_min3A_685 [1] : vector<512x4096xf32> to vector<512xf32>
    %broadcast_in_dim3A_687 = vector.shape_cast %reduce_min3A_686 : vector<512xf32> to vector<512x1xf32>
    %convert_element_type3A_688 = arith.fptosi %broadcast_in_dim3A_687 : vector<512x1xf32> to vector<512x1xi32>
    %add3A_689 = vector.broadcast %mul3A_637 : i32 to vector<512x1xi32>
    %add3A_690 = arith.addi %convert_element_type3A_688, %add3A_689 : vector<512x1xi32>
    %swap3A_691 = arith.constant 0 : index
    %swap3A_692 = arith.constant 2 : index
    %swap3A_693 = vector.load %arg6[%swap3A_691, %swap3A_692] : memref<512x3xi32, #tpu.memory_space<vmem>>, vector<512x1xi32>
    tpu.vector_store %arg6[%swap3A_691, %swap3A_692], %add3A_690 {strides = array<i32>} : memref<512x3xi32, #tpu.memory_space<vmem>>, vector<512x1xi32>,
    %convert_element_type3A_694 = arith.extui %gt3A_648 : i1 to i32
    %cond3A = arith.constant 0 : i32
    %cond3A_695 = arith.cmpi ne, %convert_element_type3A_694, %cond3A : i32
    scf.if %cond3A_695 {
      %reduce_max3A_696 = arith.constant dense<0xFF800000> : vector<512xf32>
      %reduce_max3A_697 = vector.multi_reduction <maximumf>, %sub3A_652, %reduce_max3A_696 [1] : vector<512x4096xf32> to vector<512xf32>
      %broadcast_in_dim3A_698 = vector.shape_cast %reduce_max3A_697 : vector<512xf32> to vector<512x1xf32>
      %eq3A_699 = vector.broadcast %broadcast_in_dim3A_698 : vector<512x1xf32> to vector<512x4096xf32>
      %eq3A_700 = arith.cmpf oeq, %sub3A_652, %eq3A_699 : vector<512x4096xf32>
      %jit3A_701 = arith.constant 4.096000e+03 : f32
      %broadcast_in_dim3A_702 = vector.broadcast %jit3A_701 : f32 to vector<512x4096xf32>
      %select_n3A_703 = arith.select %eq3A_700, %convert_element_type3A, %broadcast_in_dim3A_702 : vector<512x4096xi1>, vector<512x4096xf32>
      %reduce_min3A_704 = arith.constant dense<0x7F800000> : vector<512xf32>
      %reduce_min3A_705 = vector.multi_reduction <minimumf>, %select_n3A_703, %reduce_min3A_704 [1] : vector<512x4096xf32> to vector<512xf32>
      %broadcast_in_dim3A_706 = vector.shape_cast %reduce_min3A_705 : vector<512xf32> to vector<512x1xf32>
      %convert_element_type3A_707 = arith.fptosi %broadcast_in_dim3A_706 : vector<512x1xf32> to vector<512x1xi32>
      %add3A_708 = vector.broadcast %mul3A_637 : i32 to vector<512x1xi32>
      %add3A_709 = arith.addi %convert_element_type3A_707, %add3A_708 : vector<512x1xi32>
      %swap3A_710 = arith.constant 0 : index
      %swap3A_711 = arith.constant 0 : index
      %swap3A_712 = vector.load %arg6[%swap3A_710, %swap3A_711] : memref<512x3xi32, #tpu.memory_space<vmem>>, vector<512x1xi32>
      tpu.vector_store %arg6[%swap3A_710, %swap3A_711], %add3A_709 {strides = array<i32>} : memref<512x3xi32, #tpu.memory_space<vmem>>, vector<512x1xi32>,
      %eq3A_713 = vector.broadcast %broadcast_in_dim3A_706 : vector<512x1xf32> to vector<512x4096xf32>
      %eq3A_714 = arith.cmpf oeq, %convert_element_type3A, %eq3A_713 : vector<512x4096xf32>
      %jit3A_715 = arith.constant 0xFF800000 : f32
      %broadcast_in_dim3A_716 = vector.broadcast %jit3A_715 : f32 to vector<512x4096xf32>
      %select_n3A_717 = arith.select %eq3A_714, %broadcast_in_dim3A_716, %sub3A_652 : vector<512x4096xi1>, vector<512x4096xf32>
      %reduce_max3A_718 = arith.constant dense<0xFF800000> : vector<512xf32>
      %reduce_max3A_719 = vector.multi_reduction <maximumf>, %select_n3A_717, %reduce_max3A_718 [1] : vector<512x4096xf32> to vector<512xf32>
      %broadcast_in_dim3A_720 = vector.shape_cast %reduce_max3A_719 : vector<512xf32> to vector<512x1xf32>
      %eq3A_721 = vector.broadcast %broadcast_in_dim3A_720 : vector<512x1xf32> to vector<512x4096xf32>
      %eq3A_722 = arith.cmpf oeq, %select_n3A_717, %eq3A_721 : vector<512x4096xf32>
      %jit3A_723 = arith.constant 4.096000e+03 : f32
      %broadcast_in_dim3A_724 = vector.broadcast %jit3A_723 : f32 to vector<512x4096xf32>
      %select_n3A_725 = arith.select %eq3A_722, %convert_element_type3A, %broadcast_in_dim3A_724 : vector<512x4096xi1>, vector<512x4096xf32>
      %reduce_min3A_726 = arith.constant dense<0x7F800000> : vector<512xf32>
      %reduce_min3A_727 = vector.multi_reduction <minimumf>, %select_n3A_725, %reduce_min3A_726 [1] : vector<512x4096xf32> to vector<512xf32>
      %broadcast_in_dim3A_728 = vector.shape_cast %reduce_min3A_727 : vector<512xf32> to vector<512x1xf32>
      %convert_element_type3A_729 = arith.fptosi %broadcast_in_dim3A_728 : vector<512x1xf32> to vector<512x1xi32>
      %add3A_730 = vector.broadcast %mul3A_637 : i32 to vector<512x1xi32>
      %add3A_731 = arith.addi %convert_element_type3A_729, %add3A_730 : vector<512x1xi32>
      %swap3A_732 = arith.constant 0 : index
      %swap3A_733 = arith.constant 1 : index
      %swap3A_734 = vector.load %arg6[%swap3A_732, %swap3A_733] : memref<512x3xi32, #tpu.memory_space<vmem>>, vector<512x1xi32>
      tpu.vector_store %arg6[%swap3A_732, %swap3A_733], %add3A_731 {strides = array<i32>} : memref<512x3xi32, #tpu.memory_space<vmem>>, vector<512x1xi32>,
      %eq3A_735 = vector.broadcast %broadcast_in_dim3A_728 : vector<512x1xf32> to vector<512x4096xf32>
      %eq3A_736 = arith.cmpf oeq, %convert_element_type3A, %eq3A_735 : vector<512x4096xf32>
      %jit3A_737 = arith.constant 0xFF800000 : f32
      %broadcast_in_dim3A_738 = vector.broadcast %jit3A_737 : f32 to vector<512x4096xf32>
      %select_n3A_739 = arith.select %eq3A_736, %broadcast_in_dim3A_738, %select_n3A_717 : vector<512x4096xi1>, vector<512x4096xf32>
      %reduce_max3A_740 = arith.constant dense<0xFF800000> : vector<512xf32>
      %reduce_max3A_741 = vector.multi_reduction <maximumf>, %select_n3A_739, %reduce_max3A_740 [1] : vector<512x4096xf32> to vector<512xf32>
      %broadcast_in_dim3A_742 = vector.shape_cast %reduce_max3A_741 : vector<512xf32> to vector<512x1xf32>
      %eq3A_743 = vector.broadcast %broadcast_in_dim3A_742 : vector<512x1xf32> to vector<512x4096xf32>
      %eq3A_744 = arith.cmpf oeq, %select_n3A_739, %eq3A_743 : vector<512x4096xf32>
      %jit3A_745 = arith.constant 4.096000e+03 : f32
      %broadcast_in_dim3A_746 = vector.broadcast %jit3A_745 : f32 to vector<512x4096xf32>
      %select_n3A_747 = arith.select %eq3A_744, %convert_element_type3A, %broadcast_in_dim3A_746 : vector<512x4096xi1>, vector<512x4096xf32>
      %reduce_min3A_748 = arith.constant dense<0x7F800000> : vector<512xf32>
      %reduce_min3A_749 = vector.multi_reduction <minimumf>, %select_n3A_747, %reduce_min3A_748 [1] : vector<512x4096xf32> to vector<512xf32>
      %broadcast_in_dim3A_750 = vector.shape_cast %reduce_min3A_749 : vector<512xf32> to vector<512x1xf32>
      %convert_element_type3A_751 = arith.fptosi %broadcast_in_dim3A_750 : vector<512x1xf32> to vector<512x1xi32>
      %add3A_752 = vector.broadcast %mul3A_637 : i32 to vector<512x1xi32>
      %add3A_753 = arith.addi %convert_element_type3A_751, %add3A_752 : vector<512x1xi32>
      %swap3A_754 = arith.constant 0 : index
      %swap3A_755 = arith.constant 2 : index
      %swap3A_756 = vector.load %arg6[%swap3A_754, %swap3A_755] : memref<512x3xi32, #tpu.memory_space<vmem>>, vector<512x1xi32>
      tpu.vector_store %arg6[%swap3A_754, %swap3A_755], %add3A_753 {strides = array<i32>} : memref<512x3xi32, #tpu.memory_space<vmem>>, vector<512x1xi32>,
    } else {
    }
    return
  }
  func.func @transform_0(%arg0: i32, %arg1: i32) -> (i32, i32, i32) {
    %c0_i32 = arith.constant 0 : i32
    %c0_i32_0 = arith.constant 0 : i32
    %c0_i32_1 = arith.constant 0 : i32
    return %arg0, %c0_i32, %c0_i32_0 : i32, i32, i32
  }
  func.func @transform_1(%arg0: i32, %arg1: i32) -> (i32, i32, i32) {
    %c0_i32 = arith.constant 0 : i32
    %c0_i32_0 = arith.constant 0 : i32
    %c0_i32_1 = arith.constant 0 : i32
    return %arg0, %c0_i32, %c0_i32_0 : i32, i32, i32
  }
  func.func @transform_2(%arg0: i32, %arg1: i32) -> (i32, i32) {
    %c0_i32 = arith.constant 0 : i32
    %c0_i32_0 = arith.constant 0 : i32
    %c0_i32_1 = arith.constant 0 : i32
    return %c0_i32, %c0_i32_0 : i32, i32
  }
  func.func @transform_3(%arg0: i32, %arg1: i32) -> (i32, i32) {
    %c0_i32 = arith.constant 0 : i32
    %c0_i32_0 = arith.constant 0 : i32
    %c0_i32_1 = arith.constant 0 : i32
    return %c0_i32, %c0_i32_0 : i32, i32
  }
  func.func @transform_4(%arg0: i32, %arg1: i32) -> (i32, i32) {
    %mul3A = arith.constant 8 : i32
    %mul3A_0 = arith.muli %arg0, %mul3A : i32
    %add3A = arith.addi %mul3A_0, %arg1 : i32
    %c0_i32 = arith.constant 0 : i32
    %c0_i32_1 = arith.constant 0 : i32
    return %add3A, %c0_i32 : i32, i32
  }
  func.func @transform_5(%arg0: i32, %arg1: i32) -> (i32, i32) {
    %mul3A = arith.constant 8 : i32
    %mul3A_0 = arith.muli %arg0, %mul3A : i32
    %add3A = arith.addi %mul3A_0, %arg1 : i32
    %c0_i32 = arith.constant 0 : i32
    %c0_i32_1 = arith.constant 0 : i32
    return %add3A, %c0_i32 : i32, i32
  }
  func.func @transform_6(%arg0: i32, %arg1: i32) -> (i32, i32) {
    %mul3A = arith.constant 8 : i32
    %mul3A_0 = arith.muli %arg0, %mul3A : i32
    %add3A = arith.addi %mul3A_0, %arg1 : i32
    %c0_i32 = arith.constant 0 : i32
    %c0_i32_1 = arith.constant 0 : i32
    return %add3A, %c0_i32 : i32, i32
  }
}

module attributes {stable_mosaic.version = 14 : i64} {
  func.func @_stage_body(%arg0: i32, %arg1: memref<3x1024x32xf32, #tpu.memory_space<vmem>>, %arg2: memref<1x32xf32, #tpu.memory_space<vmem>>, %arg3: memref<1x32xf32, #tpu.memory_space<vmem>>, %arg4: memref<32x64xf32, #tpu.memory_space<vmem>>, %arg5: memref<1024x32xf32, #tpu.memory_space<vmem>>, %arg6: memref<3x1024x64xf32, #tpu.memory_space<vmem>>, %arg7: memref<1x64xf32, #tpu.memory_space<vmem>>, %arg8: memref<1x64xf32, #tpu.memory_space<vmem>>) attributes {dimension_semantics = [#tpu.dimension_semantics<arbitrary>], iteration_bounds = array<i64: 16>, scalar_prefetch = 0 : i64, scratch_operands = 0 : i64, tpu.core_type = #tpu.core_type<tc>, window_params = [{transform_indices = @transform_0, window_bounds = array<i64: 3, 1024, 32>}, {pipeline_mode = #tpu.pipeline_mode<synchronous>, transform_indices = @transform_1, window_bounds = array<i64: 1, 32>}, {pipeline_mode = #tpu.pipeline_mode<synchronous>, transform_indices = @transform_2, window_bounds = array<i64: 1, 32>}, {pipeline_mode = #tpu.pipeline_mode<synchronous>, transform_indices = @transform_3, window_bounds = array<i64: 32, 64>}, {transform_indices = @transform_4, window_bounds = array<i64: 1024, 32>}, {transform_indices = @transform_5, window_bounds = array<i64: 3, 1024, 64>}, {pipeline_mode = #tpu.pipeline_mode<synchronous>, transform_indices = @transform_6, window_bounds = array<i64: 1, 64>}, {pipeline_mode = #tpu.pipeline_mode<synchronous>, transform_indices = @transform_7, window_bounds = array<i64: 1, 64>}]} {
    %get3A = arith.constant 0 : index
    %get3A_0 = arith.constant 0 : index
    %get3A_1 = vector.load %arg2[%get3A, %get3A_0] : memref<1x32xf32, #tpu.memory_space<vmem>>, vector<1x32xf32>
    %get3A_2 = arith.constant 0 : index
    %get3A_3 = arith.constant 0 : index
    %get3A_4 = vector.load %arg3[%get3A_2, %get3A_3] : memref<1x32xf32, #tpu.memory_space<vmem>>, vector<1x32xf32>
    %get3A_5 = arith.constant 0 : index
    %get3A_6 = arith.constant 0 : index
    %get3A_7 = arith.constant 0 : index
    %get3A_8 = vector.load %arg1[%get3A_5, %get3A_6, %get3A_7] : memref<3x1024x32xf32, #tpu.memory_space<vmem>>, vector<1x1024x32xf32>
    %get3A_9 = vector.shape_cast %get3A_8 : vector<1x1024x32xf32> to vector<1024x32xf32>
    %mul3A = vector.broadcast %get3A_1 : vector<1x32xf32> to vector<1024x32xf32>
    %mul3A_10 = arith.mulf %get3A_9, %mul3A : vector<1024x32xf32>
    %add3A = vector.broadcast %get3A_4 : vector<1x32xf32> to vector<1024x32xf32>
    %add3A_11 = arith.addf %mul3A_10, %add3A : vector<1024x32xf32>
    %max3A = arith.constant 0.000000e+00 : f32
    %max3A_12 = vector.broadcast %max3A : f32 to vector<1024x32xf32>
    %max3A_13 = arith.maximumf %add3A_11, %max3A_12 : vector<1024x32xf32>
    %get3A_14 = arith.constant 1 : index
    %get3A_15 = arith.constant 0 : index
    %get3A_16 = arith.constant 0 : index
    %get3A_17 = vector.load %arg1[%get3A_14, %get3A_15, %get3A_16] : memref<3x1024x32xf32, #tpu.memory_space<vmem>>, vector<1x1024x32xf32>
    %get3A_18 = vector.shape_cast %get3A_17 : vector<1x1024x32xf32> to vector<1024x32xf32>
    %mul3A_19 = vector.broadcast %get3A_1 : vector<1x32xf32> to vector<1024x32xf32>
    %mul3A_20 = arith.mulf %get3A_18, %mul3A_19 : vector<1024x32xf32>
    %add3A_21 = vector.broadcast %get3A_4 : vector<1x32xf32> to vector<1024x32xf32>
    %add3A_22 = arith.addf %mul3A_20, %add3A_21 : vector<1024x32xf32>
    %max3A_23 = arith.constant 0.000000e+00 : f32
    %max3A_24 = vector.broadcast %max3A_23 : f32 to vector<1024x32xf32>
    %max3A_25 = arith.maximumf %add3A_22, %max3A_24 : vector<1024x32xf32>
    %get3A_26 = arith.constant 2 : index
    %get3A_27 = arith.constant 0 : index
    %get3A_28 = arith.constant 0 : index
    %get3A_29 = vector.load %arg1[%get3A_26, %get3A_27, %get3A_28] : memref<3x1024x32xf32, #tpu.memory_space<vmem>>, vector<1x1024x32xf32>
    %get3A_30 = vector.shape_cast %get3A_29 : vector<1x1024x32xf32> to vector<1024x32xf32>
    %mul3A_31 = vector.broadcast %get3A_1 : vector<1x32xf32> to vector<1024x32xf32>
    %mul3A_32 = arith.mulf %get3A_30, %mul3A_31 : vector<1024x32xf32>
    %add3A_33 = vector.broadcast %get3A_4 : vector<1x32xf32> to vector<1024x32xf32>
    %add3A_34 = arith.addf %mul3A_32, %add3A_33 : vector<1024x32xf32>
    %max3A_35 = arith.constant 0.000000e+00 : f32
    %max3A_36 = vector.broadcast %max3A_35 : f32 to vector<1024x32xf32>
    %max3A_37 = arith.maximumf %add3A_34, %max3A_36 : vector<1024x32xf32>
    %max3A_38 = arith.maximumf %max3A_13, %max3A_25 : vector<1024x32xf32>
    %max3A_39 = arith.maximumf %max3A_38, %max3A_37 : vector<1024x32xf32>
    %swap3A = arith.constant 0 : index
    %swap3A_40 = arith.constant 0 : index
    %swap3A_41 = vector.load %arg5[%swap3A, %swap3A_40] : memref<1024x32xf32, #tpu.memory_space<vmem>>, vector<1024x32xf32>
    tpu.vector_store %arg5[%swap3A, %swap3A_40], %max3A_39 {strides = array<i32>} : memref<1024x32xf32, #tpu.memory_space<vmem>>, vector<1024x32xf32>,
    %broadcast_in_dim3A = arith.constant 0.000000e+00 : f32
    %broadcast_in_dim3A_42 = vector.broadcast %broadcast_in_dim3A : f32 to vector<1x64xf32>
    %broadcast_in_dim3A_43 = arith.constant 0.000000e+00 : f32
    %broadcast_in_dim3A_44 = vector.broadcast %broadcast_in_dim3A_43 : f32 to vector<1x64xf32>
    %get3A_45 = arith.constant 0 : index
    %get3A_46 = arith.constant 0 : index
    %get3A_47 = vector.load %arg4[%get3A_45, %get3A_46] : memref<32x64xf32, #tpu.memory_space<vmem>>, vector<32x64xf32>
    %dot_general3A = arith.constant dense<0.000000e+00> : vector<1024x64xf32>
    %dot_general3A_48 = tpu.matmul %max3A_13, %get3A_47, %dot_general3A {dimension_numbers = #tpu.dot_dimension_numbers<[1], [0], [0], [1], [0, 0, 1, 1], [], []>, transpose_lhs_hint = false} : vector<1024x32xf32>, vector<32x64xf32>, vector<1024x64xf32> -> vector<1024x64xf32>
    %swap3A_49 = arith.constant 0 : index
    %swap3A_50 = arith.constant 0 : index
    %swap3A_51 = arith.constant 0 : index
    %swap3A_52 = vector.load %arg6[%swap3A_49, %swap3A_50, %swap3A_51] : memref<3x1024x64xf32, #tpu.memory_space<vmem>>, vector<1x1024x64xf32>
    %swap3A_53 = vector.shape_cast %swap3A_52 : vector<1x1024x64xf32> to vector<1024x64xf32>
    %swap3A_54 = vector.shape_cast %dot_general3A_48 : vector<1024x64xf32> to vector<1x1024x64xf32>
    tpu.vector_store %arg6[%swap3A_49, %swap3A_50, %swap3A_51], %swap3A_54 {strides = array<i32>} : memref<3x1024x64xf32, #tpu.memory_space<vmem>>, vector<1x1024x64xf32>,
    %reduce_sum3A = arith.constant dense<0.000000e+00> : vector<64xf32>
    %reduce_sum3A_55 = vector.multi_reduction <add>, %dot_general3A_48, %reduce_sum3A [0] : vector<1024x64xf32> to vector<64xf32>
    %broadcast_in_dim3A_56 = vector.shape_cast %reduce_sum3A_55 : vector<64xf32> to vector<1x64xf32>
    %add3A_57 = arith.addf %broadcast_in_dim3A_42, %broadcast_in_dim3A_56 : vector<1x64xf32>
    %mul3A_58 = arith.mulf %dot_general3A_48, %dot_general3A_48 : vector<1024x64xf32>
    %reduce_sum3A_59 = arith.constant dense<0.000000e+00> : vector<64xf32>
    %reduce_sum3A_60 = vector.multi_reduction <add>, %mul3A_58, %reduce_sum3A_59 [0] : vector<1024x64xf32> to vector<64xf32>
    %broadcast_in_dim3A_61 = vector.shape_cast %reduce_sum3A_60 : vector<64xf32> to vector<1x64xf32>
    %add3A_62 = arith.addf %broadcast_in_dim3A_44, %broadcast_in_dim3A_61 : vector<1x64xf32>
    %get3A_63 = arith.constant 0 : index
    %get3A_64 = arith.constant 0 : index
    %get3A_65 = vector.load %arg4[%get3A_63, %get3A_64] : memref<32x64xf32, #tpu.memory_space<vmem>>, vector<32x64xf32>
    %dot_general3A_66 = arith.constant dense<0.000000e+00> : vector<1024x64xf32>
    %dot_general3A_67 = tpu.matmul %max3A_25, %get3A_65, %dot_general3A_66 {dimension_numbers = #tpu.dot_dimension_numbers<[1], [0], [0], [1], [0, 0, 1, 1], [], []>, transpose_lhs_hint = false} : vector<1024x32xf32>, vector<32x64xf32>, vector<1024x64xf32> -> vector<1024x64xf32>
    %swap3A_68 = arith.constant 1 : index
    %swap3A_69 = arith.constant 0 : index
    %swap3A_70 = arith.constant 0 : index
    %swap3A_71 = vector.load %arg6[%swap3A_68, %swap3A_69, %swap3A_70] : memref<3x1024x64xf32, #tpu.memory_space<vmem>>, vector<1x1024x64xf32>
    %swap3A_72 = vector.shape_cast %swap3A_71 : vector<1x1024x64xf32> to vector<1024x64xf32>
    %swap3A_73 = vector.shape_cast %dot_general3A_67 : vector<1024x64xf32> to vector<1x1024x64xf32>
    tpu.vector_store %arg6[%swap3A_68, %swap3A_69, %swap3A_70], %swap3A_73 {strides = array<i32>} : memref<3x1024x64xf32, #tpu.memory_space<vmem>>, vector<1x1024x64xf32>,
    %reduce_sum3A_74 = arith.constant dense<0.000000e+00> : vector<64xf32>
    %reduce_sum3A_75 = vector.multi_reduction <add>, %dot_general3A_67, %reduce_sum3A_74 [0] : vector<1024x64xf32> to vector<64xf32>
    %broadcast_in_dim3A_76 = vector.shape_cast %reduce_sum3A_75 : vector<64xf32> to vector<1x64xf32>
    %add3A_77 = arith.addf %add3A_57, %broadcast_in_dim3A_76 : vector<1x64xf32>
    %mul3A_78 = arith.mulf %dot_general3A_67, %dot_general3A_67 : vector<1024x64xf32>
    %reduce_sum3A_79 = arith.constant dense<0.000000e+00> : vector<64xf32>
    %reduce_sum3A_80 = vector.multi_reduction <add>, %mul3A_78, %reduce_sum3A_79 [0] : vector<1024x64xf32> to vector<64xf32>
    %broadcast_in_dim3A_81 = vector.shape_cast %reduce_sum3A_80 : vector<64xf32> to vector<1x64xf32>
    %add3A_82 = arith.addf %add3A_62, %broadcast_in_dim3A_81 : vector<1x64xf32>
    %get3A_83 = arith.constant 0 : index
    %get3A_84 = arith.constant 0 : index
    %get3A_85 = vector.load %arg4[%get3A_83, %get3A_84] : memref<32x64xf32, #tpu.memory_space<vmem>>, vector<32x64xf32>
    %dot_general3A_86 = arith.constant dense<0.000000e+00> : vector<1024x64xf32>
    %dot_general3A_87 = tpu.matmul %max3A_37, %get3A_85, %dot_general3A_86 {dimension_numbers = #tpu.dot_dimension_numbers<[1], [0], [0], [1], [0, 0, 1, 1], [], []>, transpose_lhs_hint = false} : vector<1024x32xf32>, vector<32x64xf32>, vector<1024x64xf32> -> vector<1024x64xf32>
    %swap3A_88 = arith.constant 2 : index
    %swap3A_89 = arith.constant 0 : index
    %swap3A_90 = arith.constant 0 : index
    %swap3A_91 = vector.load %arg6[%swap3A_88, %swap3A_89, %swap3A_90] : memref<3x1024x64xf32, #tpu.memory_space<vmem>>, vector<1x1024x64xf32>
    %swap3A_92 = vector.shape_cast %swap3A_91 : vector<1x1024x64xf32> to vector<1024x64xf32>
    %swap3A_93 = vector.shape_cast %dot_general3A_87 : vector<1024x64xf32> to vector<1x1024x64xf32>
    tpu.vector_store %arg6[%swap3A_88, %swap3A_89, %swap3A_90], %swap3A_93 {strides = array<i32>} : memref<3x1024x64xf32, #tpu.memory_space<vmem>>, vector<1x1024x64xf32>,
    %reduce_sum3A_94 = arith.constant dense<0.000000e+00> : vector<64xf32>
    %reduce_sum3A_95 = vector.multi_reduction <add>, %dot_general3A_87, %reduce_sum3A_94 [0] : vector<1024x64xf32> to vector<64xf32>
    %broadcast_in_dim3A_96 = vector.shape_cast %reduce_sum3A_95 : vector<64xf32> to vector<1x64xf32>
    %add3A_97 = arith.addf %add3A_77, %broadcast_in_dim3A_96 : vector<1x64xf32>
    %mul3A_98 = arith.mulf %dot_general3A_87, %dot_general3A_87 : vector<1024x64xf32>
    %reduce_sum3A_99 = arith.constant dense<0.000000e+00> : vector<64xf32>
    %reduce_sum3A_100 = vector.multi_reduction <add>, %mul3A_98, %reduce_sum3A_99 [0] : vector<1024x64xf32> to vector<64xf32>
    %broadcast_in_dim3A_101 = vector.shape_cast %reduce_sum3A_100 : vector<64xf32> to vector<1x64xf32>
    %add3A_102 = arith.addf %add3A_82, %broadcast_in_dim3A_101 : vector<1x64xf32>
    %eq3A = arith.constant 0 : i32
    %eq3A_103 = arith.cmpi eq, %arg0, %eq3A : i32
    %convert_element_type3A = arith.extui %eq3A_103 : i1 to i32
    %cond3A = arith.constant 0 : i32
    %cond3A_104 = arith.cmpi ne, %convert_element_type3A, %cond3A : i32
    scf.if %cond3A_104 {
      %broadcast_in_dim3A_119 = arith.constant 0.000000e+00 : f32
      %broadcast_in_dim3A_120 = vector.broadcast %broadcast_in_dim3A_119 : f32 to vector<1x64xf32>
      %swap3A_121 = arith.constant 0 : index
      %swap3A_122 = arith.constant 0 : index
      %swap3A_123 = vector.load %arg7[%swap3A_121, %swap3A_122] : memref<1x64xf32, #tpu.memory_space<vmem>>, vector<1x64xf32>
      tpu.vector_store %arg7[%swap3A_121, %swap3A_122], %broadcast_in_dim3A_120 {strides = array<i32>} : memref<1x64xf32, #tpu.memory_space<vmem>>, vector<1x64xf32>,
      %broadcast_in_dim3A_124 = arith.constant 0.000000e+00 : f32
      %broadcast_in_dim3A_125 = vector.broadcast %broadcast_in_dim3A_124 : f32 to vector<1x64xf32>
      %swap3A_126 = arith.constant 0 : index
      %swap3A_127 = arith.constant 0 : index
      %swap3A_128 = vector.load %arg8[%swap3A_126, %swap3A_127] : memref<1x64xf32, #tpu.memory_space<vmem>>, vector<1x64xf32>
      tpu.vector_store %arg8[%swap3A_126, %swap3A_127], %broadcast_in_dim3A_125 {strides = array<i32>} : memref<1x64xf32, #tpu.memory_space<vmem>>, vector<1x64xf32>,
    } else {
    }
    %get3A_105 = arith.constant 0 : index
    %get3A_106 = arith.constant 0 : index
    %get3A_107 = vector.load %arg7[%get3A_105, %get3A_106] : memref<1x64xf32, #tpu.memory_space<vmem>>, vector<1x64xf32>
    %add3A_108 = arith.addf %get3A_107, %add3A_97 : vector<1x64xf32>
    %swap3A_109 = arith.constant 0 : index
    %swap3A_110 = arith.constant 0 : index
    %swap3A_111 = vector.load %arg7[%swap3A_109, %swap3A_110] : memref<1x64xf32, #tpu.memory_space<vmem>>, vector<1x64xf32>
    tpu.vector_store %arg7[%swap3A_109, %swap3A_110], %add3A_108 {strides = array<i32>} : memref<1x64xf32, #tpu.memory_space<vmem>>, vector<1x64xf32>,
    %get3A_112 = arith.constant 0 : index
    %get3A_113 = arith.constant 0 : index
    %get3A_114 = vector.load %arg8[%get3A_112, %get3A_113] : memref<1x64xf32, #tpu.memory_space<vmem>>, vector<1x64xf32>
    %add3A_115 = arith.addf %get3A_114, %add3A_102 : vector<1x64xf32>
    %swap3A_116 = arith.constant 0 : index
    %swap3A_117 = arith.constant 0 : index
    %swap3A_118 = vector.load %arg8[%swap3A_116, %swap3A_117] : memref<1x64xf32, #tpu.memory_space<vmem>>, vector<1x64xf32>
    tpu.vector_store %arg8[%swap3A_116, %swap3A_117], %add3A_115 {strides = array<i32>} : memref<1x64xf32, #tpu.memory_space<vmem>>, vector<1x64xf32>,
    return
  }
  func.func @transform_0(%arg0: i32) -> (i32, i32, i32) {
    %c0_i32 = arith.constant 0 : i32
    %c0_i32_0 = arith.constant 0 : i32
    %c0_i32_1 = arith.constant 0 : i32
    return %c0_i32, %arg0, %c0_i32_0 : i32, i32, i32
  }
  func.func @transform_1(%arg0: i32) -> (i32, i32) {
    %c0_i32 = arith.constant 0 : i32
    %c0_i32_0 = arith.constant 0 : i32
    %c0_i32_1 = arith.constant 0 : i32
    return %c0_i32, %c0_i32_0 : i32, i32
  }
  func.func @transform_2(%arg0: i32) -> (i32, i32) {
    %c0_i32 = arith.constant 0 : i32
    %c0_i32_0 = arith.constant 0 : i32
    %c0_i32_1 = arith.constant 0 : i32
    return %c0_i32, %c0_i32_0 : i32, i32
  }
  func.func @transform_3(%arg0: i32) -> (i32, i32) {
    %c0_i32 = arith.constant 0 : i32
    %c0_i32_0 = arith.constant 0 : i32
    %c0_i32_1 = arith.constant 0 : i32
    return %c0_i32, %c0_i32_0 : i32, i32
  }
  func.func @transform_4(%arg0: i32) -> (i32, i32) {
    %c0_i32 = arith.constant 0 : i32
    %c0_i32_0 = arith.constant 0 : i32
    return %arg0, %c0_i32 : i32, i32
  }
  func.func @transform_5(%arg0: i32) -> (i32, i32, i32) {
    %c0_i32 = arith.constant 0 : i32
    %c0_i32_0 = arith.constant 0 : i32
    %c0_i32_1 = arith.constant 0 : i32
    return %c0_i32, %arg0, %c0_i32_0 : i32, i32, i32
  }
  func.func @transform_6(%arg0: i32) -> (i32, i32) {
    %c0_i32 = arith.constant 0 : i32
    %c0_i32_0 = arith.constant 0 : i32
    %c0_i32_1 = arith.constant 0 : i32
    return %c0_i32, %c0_i32_0 : i32, i32
  }
  func.func @transform_7(%arg0: i32) -> (i32, i32) {
    %c0_i32 = arith.constant 0 : i32
    %c0_i32_0 = arith.constant 0 : i32
    %c0_i32_1 = arith.constant 0 : i32
    return %c0_i32, %c0_i32_0 : i32, i32
  }
}

module attributes {stable_mosaic.version = 14 : i64} {
  func.func @_conv1_body(%arg0: i32, %arg1: memref<3x1024x128xf32, #tpu.memory_space<vmem>>, %arg2: memref<1024x32xf32, #tpu.memory_space<vmem>>, %arg3: memref<3x1024x32xf32, #tpu.memory_space<vmem>>, %arg4: memref<1x32xf32, #tpu.memory_space<vmem>>, %arg5: memref<1x32xf32, #tpu.memory_space<vmem>>) attributes {dimension_semantics = [#tpu.dimension_semantics<arbitrary>], iteration_bounds = array<i64: 16>, scalar_prefetch = 0 : i64, scratch_operands = 0 : i64, tpu.core_type = #tpu.core_type<tc>, window_params = [{transform_indices = @transform_0, window_bounds = array<i64: 3, 1024, 128>}, {transform_indices = @transform_1, window_bounds = array<i64: 1024, 32>}, {transform_indices = @transform_2, window_bounds = array<i64: 3, 1024, 32>}, {pipeline_mode = #tpu.pipeline_mode<synchronous>, transform_indices = @transform_3, window_bounds = array<i64: 1, 32>}, {pipeline_mode = #tpu.pipeline_mode<synchronous>, transform_indices = @transform_4, window_bounds = array<i64: 1, 32>}]} {
    %get3A = arith.constant 0 : index
    %get3A_0 = arith.constant 0 : index
    %get3A_1 = vector.load %arg2[%get3A, %get3A_0] : memref<1024x32xf32, #tpu.memory_space<vmem>>, vector<1024x32xf32>
    %broadcast_in_dim3A = arith.constant 0.000000e+00 : f32
    %broadcast_in_dim3A_2 = vector.broadcast %broadcast_in_dim3A : f32 to vector<1x32xf32>
    %broadcast_in_dim3A_3 = arith.constant 0.000000e+00 : f32
    %broadcast_in_dim3A_4 = vector.broadcast %broadcast_in_dim3A_3 : f32 to vector<1x32xf32>
    %get3A_5 = arith.constant 0 : index
    %get3A_6 = arith.constant 0 : index
    %get3A_7 = arith.constant 0 : index
    %get3A_8 = vector.load %arg1[%get3A_5, %get3A_6, %get3A_7] : memref<3x1024x128xf32, #tpu.memory_space<vmem>>, vector<1x1024x128xf32>
    %get3A_9 = vector.shape_cast %get3A_8 : vector<1x1024x128xf32> to vector<1024x128xf32>
    %slice3A = vector.extract_strided_slice %get3A_9 {offsets = [0, 0], sizes = [1024, 32], strides = [1, 1]} : vector<1024x128xf32> to vector<1024x32xf32>
    %add3A = arith.addf %slice3A, %get3A_1 : vector<1024x32xf32>
    %swap3A = arith.constant 0 : index
    %swap3A_10 = arith.constant 0 : index
    %swap3A_11 = arith.constant 0 : index
    %swap3A_12 = vector.load %arg3[%swap3A, %swap3A_10, %swap3A_11] : memref<3x1024x32xf32, #tpu.memory_space<vmem>>, vector<1x1024x32xf32>
    %swap3A_13 = vector.shape_cast %swap3A_12 : vector<1x1024x32xf32> to vector<1024x32xf32>
    %swap3A_14 = vector.shape_cast %add3A : vector<1024x32xf32> to vector<1x1024x32xf32>
    tpu.vector_store %arg3[%swap3A, %swap3A_10, %swap3A_11], %swap3A_14 {strides = array<i32>} : memref<3x1024x32xf32, #tpu.memory_space<vmem>>, vector<1x1024x32xf32>,
    %reduce_sum3A = arith.constant dense<0.000000e+00> : vector<32xf32>
    %reduce_sum3A_15 = vector.multi_reduction <add>, %add3A, %reduce_sum3A [0] : vector<1024x32xf32> to vector<32xf32>
    %broadcast_in_dim3A_16 = vector.shape_cast %reduce_sum3A_15 : vector<32xf32> to vector<1x32xf32>
    %add3A_17 = arith.addf %broadcast_in_dim3A_2, %broadcast_in_dim3A_16 : vector<1x32xf32>
    %mul3A = arith.mulf %add3A, %add3A : vector<1024x32xf32>
    %reduce_sum3A_18 = arith.constant dense<0.000000e+00> : vector<32xf32>
    %reduce_sum3A_19 = vector.multi_reduction <add>, %mul3A, %reduce_sum3A_18 [0] : vector<1024x32xf32> to vector<32xf32>
    %broadcast_in_dim3A_20 = vector.shape_cast %reduce_sum3A_19 : vector<32xf32> to vector<1x32xf32>
    %add3A_21 = arith.addf %broadcast_in_dim3A_4, %broadcast_in_dim3A_20 : vector<1x32xf32>
    %get3A_22 = arith.constant 1 : index
    %get3A_23 = arith.constant 0 : index
    %get3A_24 = arith.constant 0 : index
    %get3A_25 = vector.load %arg1[%get3A_22, %get3A_23, %get3A_24] : memref<3x1024x128xf32, #tpu.memory_space<vmem>>, vector<1x1024x128xf32>
    %get3A_26 = vector.shape_cast %get3A_25 : vector<1x1024x128xf32> to vector<1024x128xf32>
    %slice3A_27 = vector.extract_strided_slice %get3A_26 {offsets = [0, 0], sizes = [1024, 32], strides = [1, 1]} : vector<1024x128xf32> to vector<1024x32xf32>
    %add3A_28 = arith.addf %slice3A_27, %get3A_1 : vector<1024x32xf32>
    %swap3A_29 = arith.constant 1 : index
    %swap3A_30 = arith.constant 0 : index
    %swap3A_31 = arith.constant 0 : index
    %swap3A_32 = vector.load %arg3[%swap3A_29, %swap3A_30, %swap3A_31] : memref<3x1024x32xf32, #tpu.memory_space<vmem>>, vector<1x1024x32xf32>
    %swap3A_33 = vector.shape_cast %swap3A_32 : vector<1x1024x32xf32> to vector<1024x32xf32>
    %swap3A_34 = vector.shape_cast %add3A_28 : vector<1024x32xf32> to vector<1x1024x32xf32>
    tpu.vector_store %arg3[%swap3A_29, %swap3A_30, %swap3A_31], %swap3A_34 {strides = array<i32>} : memref<3x1024x32xf32, #tpu.memory_space<vmem>>, vector<1x1024x32xf32>,
    %reduce_sum3A_35 = arith.constant dense<0.000000e+00> : vector<32xf32>
    %reduce_sum3A_36 = vector.multi_reduction <add>, %add3A_28, %reduce_sum3A_35 [0] : vector<1024x32xf32> to vector<32xf32>
    %broadcast_in_dim3A_37 = vector.shape_cast %reduce_sum3A_36 : vector<32xf32> to vector<1x32xf32>
    %add3A_38 = arith.addf %add3A_17, %broadcast_in_dim3A_37 : vector<1x32xf32>
    %mul3A_39 = arith.mulf %add3A_28, %add3A_28 : vector<1024x32xf32>
    %reduce_sum3A_40 = arith.constant dense<0.000000e+00> : vector<32xf32>
    %reduce_sum3A_41 = vector.multi_reduction <add>, %mul3A_39, %reduce_sum3A_40 [0] : vector<1024x32xf32> to vector<32xf32>
    %broadcast_in_dim3A_42 = vector.shape_cast %reduce_sum3A_41 : vector<32xf32> to vector<1x32xf32>
    %add3A_43 = arith.addf %add3A_21, %broadcast_in_dim3A_42 : vector<1x32xf32>
    %get3A_44 = arith.constant 2 : index
    %get3A_45 = arith.constant 0 : index
    %get3A_46 = arith.constant 0 : index
    %get3A_47 = vector.load %arg1[%get3A_44, %get3A_45, %get3A_46] : memref<3x1024x128xf32, #tpu.memory_space<vmem>>, vector<1x1024x128xf32>
    %get3A_48 = vector.shape_cast %get3A_47 : vector<1x1024x128xf32> to vector<1024x128xf32>
    %slice3A_49 = vector.extract_strided_slice %get3A_48 {offsets = [0, 0], sizes = [1024, 32], strides = [1, 1]} : vector<1024x128xf32> to vector<1024x32xf32>
    %add3A_50 = arith.addf %slice3A_49, %get3A_1 : vector<1024x32xf32>
    %swap3A_51 = arith.constant 2 : index
    %swap3A_52 = arith.constant 0 : index
    %swap3A_53 = arith.constant 0 : index
    %swap3A_54 = vector.load %arg3[%swap3A_51, %swap3A_52, %swap3A_53] : memref<3x1024x32xf32, #tpu.memory_space<vmem>>, vector<1x1024x32xf32>
    %swap3A_55 = vector.shape_cast %swap3A_54 : vector<1x1024x32xf32> to vector<1024x32xf32>
    %swap3A_56 = vector.shape_cast %add3A_50 : vector<1024x32xf32> to vector<1x1024x32xf32>
    tpu.vector_store %arg3[%swap3A_51, %swap3A_52, %swap3A_53], %swap3A_56 {strides = array<i32>} : memref<3x1024x32xf32, #tpu.memory_space<vmem>>, vector<1x1024x32xf32>,
    %reduce_sum3A_57 = arith.constant dense<0.000000e+00> : vector<32xf32>
    %reduce_sum3A_58 = vector.multi_reduction <add>, %add3A_50, %reduce_sum3A_57 [0] : vector<1024x32xf32> to vector<32xf32>
    %broadcast_in_dim3A_59 = vector.shape_cast %reduce_sum3A_58 : vector<32xf32> to vector<1x32xf32>
    %add3A_60 = arith.addf %add3A_38, %broadcast_in_dim3A_59 : vector<1x32xf32>
    %mul3A_61 = arith.mulf %add3A_50, %add3A_50 : vector<1024x32xf32>
    %reduce_sum3A_62 = arith.constant dense<0.000000e+00> : vector<32xf32>
    %reduce_sum3A_63 = vector.multi_reduction <add>, %mul3A_61, %reduce_sum3A_62 [0] : vector<1024x32xf32> to vector<32xf32>
    %broadcast_in_dim3A_64 = vector.shape_cast %reduce_sum3A_63 : vector<32xf32> to vector<1x32xf32>
    %add3A_65 = arith.addf %add3A_43, %broadcast_in_dim3A_64 : vector<1x32xf32>
    %eq3A = arith.constant 0 : i32
    %eq3A_66 = arith.cmpi eq, %arg0, %eq3A : i32
    %convert_element_type3A = arith.extui %eq3A_66 : i1 to i32
    %cond3A = arith.constant 0 : i32
    %cond3A_67 = arith.cmpi ne, %convert_element_type3A, %cond3A : i32
    scf.if %cond3A_67 {
      %broadcast_in_dim3A_82 = arith.constant 0.000000e+00 : f32
      %broadcast_in_dim3A_83 = vector.broadcast %broadcast_in_dim3A_82 : f32 to vector<1x32xf32>
      %swap3A_84 = arith.constant 0 : index
      %swap3A_85 = arith.constant 0 : index
      %swap3A_86 = vector.load %arg4[%swap3A_84, %swap3A_85] : memref<1x32xf32, #tpu.memory_space<vmem>>, vector<1x32xf32>
      tpu.vector_store %arg4[%swap3A_84, %swap3A_85], %broadcast_in_dim3A_83 {strides = array<i32>} : memref<1x32xf32, #tpu.memory_space<vmem>>, vector<1x32xf32>,
      %broadcast_in_dim3A_87 = arith.constant 0.000000e+00 : f32
      %broadcast_in_dim3A_88 = vector.broadcast %broadcast_in_dim3A_87 : f32 to vector<1x32xf32>
      %swap3A_89 = arith.constant 0 : index
      %swap3A_90 = arith.constant 0 : index
      %swap3A_91 = vector.load %arg5[%swap3A_89, %swap3A_90] : memref<1x32xf32, #tpu.memory_space<vmem>>, vector<1x32xf32>
      tpu.vector_store %arg5[%swap3A_89, %swap3A_90], %broadcast_in_dim3A_88 {strides = array<i32>} : memref<1x32xf32, #tpu.memory_space<vmem>>, vector<1x32xf32>,
    } else {
    }
    %get3A_68 = arith.constant 0 : index
    %get3A_69 = arith.constant 0 : index
    %get3A_70 = vector.load %arg4[%get3A_68, %get3A_69] : memref<1x32xf32, #tpu.memory_space<vmem>>, vector<1x32xf32>
    %add3A_71 = arith.addf %get3A_70, %add3A_60 : vector<1x32xf32>
    %swap3A_72 = arith.constant 0 : index
    %swap3A_73 = arith.constant 0 : index
    %swap3A_74 = vector.load %arg4[%swap3A_72, %swap3A_73] : memref<1x32xf32, #tpu.memory_space<vmem>>, vector<1x32xf32>
    tpu.vector_store %arg4[%swap3A_72, %swap3A_73], %add3A_71 {strides = array<i32>} : memref<1x32xf32, #tpu.memory_space<vmem>>, vector<1x32xf32>,
    %get3A_75 = arith.constant 0 : index
    %get3A_76 = arith.constant 0 : index
    %get3A_77 = vector.load %arg5[%get3A_75, %get3A_76] : memref<1x32xf32, #tpu.memory_space<vmem>>, vector<1x32xf32>
    %add3A_78 = arith.addf %get3A_77, %add3A_65 : vector<1x32xf32>
    %swap3A_79 = arith.constant 0 : index
    %swap3A_80 = arith.constant 0 : index
    %swap3A_81 = vector.load %arg5[%swap3A_79, %swap3A_80] : memref<1x32xf32, #tpu.memory_space<vmem>>, vector<1x32xf32>
    tpu.vector_store %arg5[%swap3A_79, %swap3A_80], %add3A_78 {strides = array<i32>} : memref<1x32xf32, #tpu.memory_space<vmem>>, vector<1x32xf32>,
    return
  }
  func.func @transform_0(%arg0: i32) -> (i32, i32, i32) {
    %c0_i32 = arith.constant 0 : i32
    %c0_i32_0 = arith.constant 0 : i32
    %c0_i32_1 = arith.constant 0 : i32
    return %c0_i32, %arg0, %c0_i32_0 : i32, i32, i32
  }
  func.func @transform_1(%arg0: i32) -> (i32, i32) {
    %c0_i32 = arith.constant 0 : i32
    %c0_i32_0 = arith.constant 0 : i32
    return %arg0, %c0_i32 : i32, i32
  }
  func.func @transform_2(%arg0: i32) -> (i32, i32, i32) {
    %c0_i32 = arith.constant 0 : i32
    %c0_i32_0 = arith.constant 0 : i32
    %c0_i32_1 = arith.constant 0 : i32
    return %c0_i32, %arg0, %c0_i32_0 : i32, i32, i32
  }
  func.func @transform_3(%arg0: i32) -> (i32, i32) {
    %c0_i32 = arith.constant 0 : i32
    %c0_i32_0 = arith.constant 0 : i32
    %c0_i32_1 = arith.constant 0 : i32
    return %c0_i32, %c0_i32_0 : i32, i32
  }
  func.func @transform_4(%arg0: i32) -> (i32, i32) {
    %c0_i32 = arith.constant 0 : i32
    %c0_i32_0 = arith.constant 0 : i32
    %c0_i32_1 = arith.constant 0 : i32
    return %c0_i32, %c0_i32_0 : i32, i32
  }
}

module attributes {stable_mosaic.version = 14 : i64} {
  func.func @_stage_body(%arg0: i32, %arg1: memref<3x1024x64xf32, #tpu.memory_space<vmem>>, %arg2: memref<1x64xf32, #tpu.memory_space<vmem>>, %arg3: memref<1x64xf32, #tpu.memory_space<vmem>>, %arg4: memref<64x128xf32, #tpu.memory_space<vmem>>, %arg5: memref<1024x64xf32, #tpu.memory_space<vmem>>, %arg6: memref<3x1024x128xf32, #tpu.memory_space<vmem>>, %arg7: memref<1x128xf32, #tpu.memory_space<vmem>>, %arg8: memref<1x128xf32, #tpu.memory_space<vmem>>) attributes {dimension_semantics = [#tpu.dimension_semantics<arbitrary>], iteration_bounds = array<i64: 16>, scalar_prefetch = 0 : i64, scratch_operands = 0 : i64, tpu.core_type = #tpu.core_type<tc>, window_params = [{transform_indices = @transform_0, window_bounds = array<i64: 3, 1024, 64>}, {pipeline_mode = #tpu.pipeline_mode<synchronous>, transform_indices = @transform_1, window_bounds = array<i64: 1, 64>}, {pipeline_mode = #tpu.pipeline_mode<synchronous>, transform_indices = @transform_2, window_bounds = array<i64: 1, 64>}, {pipeline_mode = #tpu.pipeline_mode<synchronous>, transform_indices = @transform_3, window_bounds = array<i64: 64, 128>}, {transform_indices = @transform_4, window_bounds = array<i64: 1024, 64>}, {transform_indices = @transform_5, window_bounds = array<i64: 3, 1024, 128>}, {pipeline_mode = #tpu.pipeline_mode<synchronous>, transform_indices = @transform_6, window_bounds = array<i64: 1, 128>}, {pipeline_mode = #tpu.pipeline_mode<synchronous>, transform_indices = @transform_7, window_bounds = array<i64: 1, 128>}]} {
    %get3A = arith.constant 0 : index
    %get3A_0 = arith.constant 0 : index
    %get3A_1 = vector.load %arg2[%get3A, %get3A_0] : memref<1x64xf32, #tpu.memory_space<vmem>>, vector<1x64xf32>
    %get3A_2 = arith.constant 0 : index
    %get3A_3 = arith.constant 0 : index
    %get3A_4 = vector.load %arg3[%get3A_2, %get3A_3] : memref<1x64xf32, #tpu.memory_space<vmem>>, vector<1x64xf32>
    %get3A_5 = arith.constant 0 : index
    %get3A_6 = arith.constant 0 : index
    %get3A_7 = arith.constant 0 : index
    %get3A_8 = vector.load %arg1[%get3A_5, %get3A_6, %get3A_7] : memref<3x1024x64xf32, #tpu.memory_space<vmem>>, vector<1x1024x64xf32>
    %get3A_9 = vector.shape_cast %get3A_8 : vector<1x1024x64xf32> to vector<1024x64xf32>
    %mul3A = vector.broadcast %get3A_1 : vector<1x64xf32> to vector<1024x64xf32>
    %mul3A_10 = arith.mulf %get3A_9, %mul3A : vector<1024x64xf32>
    %add3A = vector.broadcast %get3A_4 : vector<1x64xf32> to vector<1024x64xf32>
    %add3A_11 = arith.addf %mul3A_10, %add3A : vector<1024x64xf32>
    %max3A = arith.constant 0.000000e+00 : f32
    %max3A_12 = vector.broadcast %max3A : f32 to vector<1024x64xf32>
    %max3A_13 = arith.maximumf %add3A_11, %max3A_12 : vector<1024x64xf32>
    %get3A_14 = arith.constant 1 : index
    %get3A_15 = arith.constant 0 : index
    %get3A_16 = arith.constant 0 : index
    %get3A_17 = vector.load %arg1[%get3A_14, %get3A_15, %get3A_16] : memref<3x1024x64xf32, #tpu.memory_space<vmem>>, vector<1x1024x64xf32>
    %get3A_18 = vector.shape_cast %get3A_17 : vector<1x1024x64xf32> to vector<1024x64xf32>
    %mul3A_19 = vector.broadcast %get3A_1 : vector<1x64xf32> to vector<1024x64xf32>
    %mul3A_20 = arith.mulf %get3A_18, %mul3A_19 : vector<1024x64xf32>
    %add3A_21 = vector.broadcast %get3A_4 : vector<1x64xf32> to vector<1024x64xf32>
    %add3A_22 = arith.addf %mul3A_20, %add3A_21 : vector<1024x64xf32>
    %max3A_23 = arith.constant 0.000000e+00 : f32
    %max3A_24 = vector.broadcast %max3A_23 : f32 to vector<1024x64xf32>
    %max3A_25 = arith.maximumf %add3A_22, %max3A_24 : vector<1024x64xf32>
    %get3A_26 = arith.constant 2 : index
    %get3A_27 = arith.constant 0 : index
    %get3A_28 = arith.constant 0 : index
    %get3A_29 = vector.load %arg1[%get3A_26, %get3A_27, %get3A_28] : memref<3x1024x64xf32, #tpu.memory_space<vmem>>, vector<1x1024x64xf32>
    %get3A_30 = vector.shape_cast %get3A_29 : vector<1x1024x64xf32> to vector<1024x64xf32>
    %mul3A_31 = vector.broadcast %get3A_1 : vector<1x64xf32> to vector<1024x64xf32>
    %mul3A_32 = arith.mulf %get3A_30, %mul3A_31 : vector<1024x64xf32>
    %add3A_33 = vector.broadcast %get3A_4 : vector<1x64xf32> to vector<1024x64xf32>
    %add3A_34 = arith.addf %mul3A_32, %add3A_33 : vector<1024x64xf32>
    %max3A_35 = arith.constant 0.000000e+00 : f32
    %max3A_36 = vector.broadcast %max3A_35 : f32 to vector<1024x64xf32>
    %max3A_37 = arith.maximumf %add3A_34, %max3A_36 : vector<1024x64xf32>
    %max3A_38 = arith.maximumf %max3A_13, %max3A_25 : vector<1024x64xf32>
    %max3A_39 = arith.maximumf %max3A_38, %max3A_37 : vector<1024x64xf32>
    %swap3A = arith.constant 0 : index
    %swap3A_40 = arith.constant 0 : index
    %swap3A_41 = vector.load %arg5[%swap3A, %swap3A_40] : memref<1024x64xf32, #tpu.memory_space<vmem>>, vector<1024x64xf32>
    tpu.vector_store %arg5[%swap3A, %swap3A_40], %max3A_39 {strides = array<i32>} : memref<1024x64xf32, #tpu.memory_space<vmem>>, vector<1024x64xf32>,
    %broadcast_in_dim3A = arith.constant 0.000000e+00 : f32
    %broadcast_in_dim3A_42 = vector.broadcast %broadcast_in_dim3A : f32 to vector<1x128xf32>
    %broadcast_in_dim3A_43 = arith.constant 0.000000e+00 : f32
    %broadcast_in_dim3A_44 = vector.broadcast %broadcast_in_dim3A_43 : f32 to vector<1x128xf32>
    %get3A_45 = arith.constant 0 : index
    %get3A_46 = arith.constant 0 : index
    %get3A_47 = vector.load %arg4[%get3A_45, %get3A_46] : memref<64x128xf32, #tpu.memory_space<vmem>>, vector<64x128xf32>
    %dot_general3A = arith.constant dense<0.000000e+00> : vector<1024x128xf32>
    %dot_general3A_48 = tpu.matmul %max3A_13, %get3A_47, %dot_general3A {dimension_numbers = #tpu.dot_dimension_numbers<[1], [0], [0], [1], [0, 0, 1, 1], [], []>, transpose_lhs_hint = false} : vector<1024x64xf32>, vector<64x128xf32>, vector<1024x128xf32> -> vector<1024x128xf32>
    %swap3A_49 = arith.constant 0 : index
    %swap3A_50 = arith.constant 0 : index
    %swap3A_51 = arith.constant 0 : index
    %swap3A_52 = vector.load %arg6[%swap3A_49, %swap3A_50, %swap3A_51] : memref<3x1024x128xf32, #tpu.memory_space<vmem>>, vector<1x1024x128xf32>
    %swap3A_53 = vector.shape_cast %swap3A_52 : vector<1x1024x128xf32> to vector<1024x128xf32>
    %swap3A_54 = vector.shape_cast %dot_general3A_48 : vector<1024x128xf32> to vector<1x1024x128xf32>
    tpu.vector_store %arg6[%swap3A_49, %swap3A_50, %swap3A_51], %swap3A_54 {strides = array<i32>} : memref<3x1024x128xf32, #tpu.memory_space<vmem>>, vector<1x1024x128xf32>,
    %reduce_sum3A = arith.constant dense<0.000000e+00> : vector<128xf32>
    %reduce_sum3A_55 = vector.multi_reduction <add>, %dot_general3A_48, %reduce_sum3A [0] : vector<1024x128xf32> to vector<128xf32>
    %broadcast_in_dim3A_56 = vector.shape_cast %reduce_sum3A_55 : vector<128xf32> to vector<1x128xf32>
    %add3A_57 = arith.addf %broadcast_in_dim3A_42, %broadcast_in_dim3A_56 : vector<1x128xf32>
    %mul3A_58 = arith.mulf %dot_general3A_48, %dot_general3A_48 : vector<1024x128xf32>
    %reduce_sum3A_59 = arith.constant dense<0.000000e+00> : vector<128xf32>
    %reduce_sum3A_60 = vector.multi_reduction <add>, %mul3A_58, %reduce_sum3A_59 [0] : vector<1024x128xf32> to vector<128xf32>
    %broadcast_in_dim3A_61 = vector.shape_cast %reduce_sum3A_60 : vector<128xf32> to vector<1x128xf32>
    %add3A_62 = arith.addf %broadcast_in_dim3A_44, %broadcast_in_dim3A_61 : vector<1x128xf32>
    %get3A_63 = arith.constant 0 : index
    %get3A_64 = arith.constant 0 : index
    %get3A_65 = vector.load %arg4[%get3A_63, %get3A_64] : memref<64x128xf32, #tpu.memory_space<vmem>>, vector<64x128xf32>
    %dot_general3A_66 = arith.constant dense<0.000000e+00> : vector<1024x128xf32>
    %dot_general3A_67 = tpu.matmul %max3A_25, %get3A_65, %dot_general3A_66 {dimension_numbers = #tpu.dot_dimension_numbers<[1], [0], [0], [1], [0, 0, 1, 1], [], []>, transpose_lhs_hint = false} : vector<1024x64xf32>, vector<64x128xf32>, vector<1024x128xf32> -> vector<1024x128xf32>
    %swap3A_68 = arith.constant 1 : index
    %swap3A_69 = arith.constant 0 : index
    %swap3A_70 = arith.constant 0 : index
    %swap3A_71 = vector.load %arg6[%swap3A_68, %swap3A_69, %swap3A_70] : memref<3x1024x128xf32, #tpu.memory_space<vmem>>, vector<1x1024x128xf32>
    %swap3A_72 = vector.shape_cast %swap3A_71 : vector<1x1024x128xf32> to vector<1024x128xf32>
    %swap3A_73 = vector.shape_cast %dot_general3A_67 : vector<1024x128xf32> to vector<1x1024x128xf32>
    tpu.vector_store %arg6[%swap3A_68, %swap3A_69, %swap3A_70], %swap3A_73 {strides = array<i32>} : memref<3x1024x128xf32, #tpu.memory_space<vmem>>, vector<1x1024x128xf32>,
    %reduce_sum3A_74 = arith.constant dense<0.000000e+00> : vector<128xf32>
    %reduce_sum3A_75 = vector.multi_reduction <add>, %dot_general3A_67, %reduce_sum3A_74 [0] : vector<1024x128xf32> to vector<128xf32>
    %broadcast_in_dim3A_76 = vector.shape_cast %reduce_sum3A_75 : vector<128xf32> to vector<1x128xf32>
    %add3A_77 = arith.addf %add3A_57, %broadcast_in_dim3A_76 : vector<1x128xf32>
    %mul3A_78 = arith.mulf %dot_general3A_67, %dot_general3A_67 : vector<1024x128xf32>
    %reduce_sum3A_79 = arith.constant dense<0.000000e+00> : vector<128xf32>
    %reduce_sum3A_80 = vector.multi_reduction <add>, %mul3A_78, %reduce_sum3A_79 [0] : vector<1024x128xf32> to vector<128xf32>
    %broadcast_in_dim3A_81 = vector.shape_cast %reduce_sum3A_80 : vector<128xf32> to vector<1x128xf32>
    %add3A_82 = arith.addf %add3A_62, %broadcast_in_dim3A_81 : vector<1x128xf32>
    %get3A_83 = arith.constant 0 : index
    %get3A_84 = arith.constant 0 : index
    %get3A_85 = vector.load %arg4[%get3A_83, %get3A_84] : memref<64x128xf32, #tpu.memory_space<vmem>>, vector<64x128xf32>
    %dot_general3A_86 = arith.constant dense<0.000000e+00> : vector<1024x128xf32>
    %dot_general3A_87 = tpu.matmul %max3A_37, %get3A_85, %dot_general3A_86 {dimension_numbers = #tpu.dot_dimension_numbers<[1], [0], [0], [1], [0, 0, 1, 1], [], []>, transpose_lhs_hint = false} : vector<1024x64xf32>, vector<64x128xf32>, vector<1024x128xf32> -> vector<1024x128xf32>
    %swap3A_88 = arith.constant 2 : index
    %swap3A_89 = arith.constant 0 : index
    %swap3A_90 = arith.constant 0 : index
    %swap3A_91 = vector.load %arg6[%swap3A_88, %swap3A_89, %swap3A_90] : memref<3x1024x128xf32, #tpu.memory_space<vmem>>, vector<1x1024x128xf32>
    %swap3A_92 = vector.shape_cast %swap3A_91 : vector<1x1024x128xf32> to vector<1024x128xf32>
    %swap3A_93 = vector.shape_cast %dot_general3A_87 : vector<1024x128xf32> to vector<1x1024x128xf32>
    tpu.vector_store %arg6[%swap3A_88, %swap3A_89, %swap3A_90], %swap3A_93 {strides = array<i32>} : memref<3x1024x128xf32, #tpu.memory_space<vmem>>, vector<1x1024x128xf32>,
    %reduce_sum3A_94 = arith.constant dense<0.000000e+00> : vector<128xf32>
    %reduce_sum3A_95 = vector.multi_reduction <add>, %dot_general3A_87, %reduce_sum3A_94 [0] : vector<1024x128xf32> to vector<128xf32>
    %broadcast_in_dim3A_96 = vector.shape_cast %reduce_sum3A_95 : vector<128xf32> to vector<1x128xf32>
    %add3A_97 = arith.addf %add3A_77, %broadcast_in_dim3A_96 : vector<1x128xf32>
    %mul3A_98 = arith.mulf %dot_general3A_87, %dot_general3A_87 : vector<1024x128xf32>
    %reduce_sum3A_99 = arith.constant dense<0.000000e+00> : vector<128xf32>
    %reduce_sum3A_100 = vector.multi_reduction <add>, %mul3A_98, %reduce_sum3A_99 [0] : vector<1024x128xf32> to vector<128xf32>
    %broadcast_in_dim3A_101 = vector.shape_cast %reduce_sum3A_100 : vector<128xf32> to vector<1x128xf32>
    %add3A_102 = arith.addf %add3A_82, %broadcast_in_dim3A_101 : vector<1x128xf32>
    %eq3A = arith.constant 0 : i32
    %eq3A_103 = arith.cmpi eq, %arg0, %eq3A : i32
    %convert_element_type3A = arith.extui %eq3A_103 : i1 to i32
    %cond3A = arith.constant 0 : i32
    %cond3A_104 = arith.cmpi ne, %convert_element_type3A, %cond3A : i32
    scf.if %cond3A_104 {
      %broadcast_in_dim3A_119 = arith.constant 0.000000e+00 : f32
      %broadcast_in_dim3A_120 = vector.broadcast %broadcast_in_dim3A_119 : f32 to vector<1x128xf32>
      %swap3A_121 = arith.constant 0 : index
      %swap3A_122 = arith.constant 0 : index
      %swap3A_123 = vector.load %arg7[%swap3A_121, %swap3A_122] : memref<1x128xf32, #tpu.memory_space<vmem>>, vector<1x128xf32>
      tpu.vector_store %arg7[%swap3A_121, %swap3A_122], %broadcast_in_dim3A_120 {strides = array<i32>} : memref<1x128xf32, #tpu.memory_space<vmem>>, vector<1x128xf32>,
      %broadcast_in_dim3A_124 = arith.constant 0.000000e+00 : f32
      %broadcast_in_dim3A_125 = vector.broadcast %broadcast_in_dim3A_124 : f32 to vector<1x128xf32>
      %swap3A_126 = arith.constant 0 : index
      %swap3A_127 = arith.constant 0 : index
      %swap3A_128 = vector.load %arg8[%swap3A_126, %swap3A_127] : memref<1x128xf32, #tpu.memory_space<vmem>>, vector<1x128xf32>
      tpu.vector_store %arg8[%swap3A_126, %swap3A_127], %broadcast_in_dim3A_125 {strides = array<i32>} : memref<1x128xf32, #tpu.memory_space<vmem>>, vector<1x128xf32>,
    } else {
    }
    %get3A_105 = arith.constant 0 : index
    %get3A_106 = arith.constant 0 : index
    %get3A_107 = vector.load %arg7[%get3A_105, %get3A_106] : memref<1x128xf32, #tpu.memory_space<vmem>>, vector<1x128xf32>
    %add3A_108 = arith.addf %get3A_107, %add3A_97 : vector<1x128xf32>
    %swap3A_109 = arith.constant 0 : index
    %swap3A_110 = arith.constant 0 : index
    %swap3A_111 = vector.load %arg7[%swap3A_109, %swap3A_110] : memref<1x128xf32, #tpu.memory_space<vmem>>, vector<1x128xf32>
    tpu.vector_store %arg7[%swap3A_109, %swap3A_110], %add3A_108 {strides = array<i32>} : memref<1x128xf32, #tpu.memory_space<vmem>>, vector<1x128xf32>,
    %get3A_112 = arith.constant 0 : index
    %get3A_113 = arith.constant 0 : index
    %get3A_114 = vector.load %arg8[%get3A_112, %get3A_113] : memref<1x128xf32, #tpu.memory_space<vmem>>, vector<1x128xf32>
    %add3A_115 = arith.addf %get3A_114, %add3A_102 : vector<1x128xf32>
    %swap3A_116 = arith.constant 0 : index
    %swap3A_117 = arith.constant 0 : index
    %swap3A_118 = vector.load %arg8[%swap3A_116, %swap3A_117] : memref<1x128xf32, #tpu.memory_space<vmem>>, vector<1x128xf32>
    tpu.vector_store %arg8[%swap3A_116, %swap3A_117], %add3A_115 {strides = array<i32>} : memref<1x128xf32, #tpu.memory_space<vmem>>, vector<1x128xf32>,
    return
  }
  func.func @transform_0(%arg0: i32) -> (i32, i32, i32) {
    %c0_i32 = arith.constant 0 : i32
    %c0_i32_0 = arith.constant 0 : i32
    %c0_i32_1 = arith.constant 0 : i32
    return %c0_i32, %arg0, %c0_i32_0 : i32, i32, i32
  }
  func.func @transform_1(%arg0: i32) -> (i32, i32) {
    %c0_i32 = arith.constant 0 : i32
    %c0_i32_0 = arith.constant 0 : i32
    %c0_i32_1 = arith.constant 0 : i32
    return %c0_i32, %c0_i32_0 : i32, i32
  }
  func.func @transform_2(%arg0: i32) -> (i32, i32) {
    %c0_i32 = arith.constant 0 : i32
    %c0_i32_0 = arith.constant 0 : i32
    %c0_i32_1 = arith.constant 0 : i32
    return %c0_i32, %c0_i32_0 : i32, i32
  }
  func.func @transform_3(%arg0: i32) -> (i32, i32) {
    %c0_i32 = arith.constant 0 : i32
    %c0_i32_0 = arith.constant 0 : i32
    %c0_i32_1 = arith.constant 0 : i32
    return %c0_i32, %c0_i32_0 : i32, i32
  }
  func.func @transform_4(%arg0: i32) -> (i32, i32) {
    %c0_i32 = arith.constant 0 : i32
    %c0_i32_0 = arith.constant 0 : i32
    return %arg0, %c0_i32 : i32, i32
  }
  func.func @transform_5(%arg0: i32) -> (i32, i32, i32) {
    %c0_i32 = arith.constant 0 : i32
    %c0_i32_0 = arith.constant 0 : i32
    %c0_i32_1 = arith.constant 0 : i32
    return %c0_i32, %arg0, %c0_i32_0 : i32, i32, i32
  }
  func.func @transform_6(%arg0: i32) -> (i32, i32) {
    %c0_i32 = arith.constant 0 : i32
    %c0_i32_0 = arith.constant 0 : i32
    %c0_i32_1 = arith.constant 0 : i32
    return %c0_i32, %c0_i32_0 : i32, i32
  }
  func.func @transform_7(%arg0: i32) -> (i32, i32) {
    %c0_i32 = arith.constant 0 : i32
    %c0_i32_0 = arith.constant 0 : i32
    %c0_i32_1 = arith.constant 0 : i32
    return %c0_i32, %c0_i32_0 : i32, i32
  }
}

module attributes {stable_mosaic.version = 14 : i64} {
  func.func @_stage4_body(%arg0: i32, %arg1: memref<3x1024x128xf32, #tpu.memory_space<vmem>>, %arg2: memref<1x128xf32, #tpu.memory_space<vmem>>, %arg3: memref<1x128xf32, #tpu.memory_space<vmem>>, %arg4: memref<128x256xf32, #tpu.memory_space<vmem>>, %arg5: memref<1024x128xf32, #tpu.memory_space<vmem>>, %arg6: memref<1x256xf32, #tpu.memory_space<vmem>>, %arg7: memref<1x256xf32, #tpu.memory_space<vmem>>) attributes {dimension_semantics = [#tpu.dimension_semantics<arbitrary>], iteration_bounds = array<i64: 16>, scalar_prefetch = 0 : i64, scratch_operands = 0 : i64, tpu.core_type = #tpu.core_type<tc>, window_params = [{transform_indices = @transform_0, window_bounds = array<i64: 3, 1024, 128>}, {pipeline_mode = #tpu.pipeline_mode<synchronous>, transform_indices = @transform_1, window_bounds = array<i64: 1, 128>}, {pipeline_mode = #tpu.pipeline_mode<synchronous>, transform_indices = @transform_2, window_bounds = array<i64: 1, 128>}, {pipeline_mode = #tpu.pipeline_mode<synchronous>, transform_indices = @transform_3, window_bounds = array<i64: 128, 256>}, {transform_indices = @transform_4, window_bounds = array<i64: 1024, 128>}, {pipeline_mode = #tpu.pipeline_mode<synchronous>, transform_indices = @transform_5, window_bounds = array<i64: 1, 256>}, {pipeline_mode = #tpu.pipeline_mode<synchronous>, transform_indices = @transform_6, window_bounds = array<i64: 1, 256>}]} {
    %get3A = arith.constant 0 : index
    %get3A_0 = arith.constant 0 : index
    %get3A_1 = vector.load %arg2[%get3A, %get3A_0] : memref<1x128xf32, #tpu.memory_space<vmem>>, vector<1x128xf32>
    %get3A_2 = arith.constant 0 : index
    %get3A_3 = arith.constant 0 : index
    %get3A_4 = vector.load %arg3[%get3A_2, %get3A_3] : memref<1x128xf32, #tpu.memory_space<vmem>>, vector<1x128xf32>
    %get3A_5 = arith.constant 0 : index
    %get3A_6 = arith.constant 0 : index
    %get3A_7 = arith.constant 0 : index
    %get3A_8 = vector.load %arg1[%get3A_5, %get3A_6, %get3A_7] : memref<3x1024x128xf32, #tpu.memory_space<vmem>>, vector<1x1024x128xf32>
    %get3A_9 = vector.shape_cast %get3A_8 : vector<1x1024x128xf32> to vector<1024x128xf32>
    %mul3A = vector.broadcast %get3A_1 : vector<1x128xf32> to vector<1024x128xf32>
    %mul3A_10 = arith.mulf %get3A_9, %mul3A : vector<1024x128xf32>
    %add3A = vector.broadcast %get3A_4 : vector<1x128xf32> to vector<1024x128xf32>
    %add3A_11 = arith.addf %mul3A_10, %add3A : vector<1024x128xf32>
    %max3A = arith.constant 0.000000e+00 : f32
    %max3A_12 = vector.broadcast %max3A : f32 to vector<1024x128xf32>
    %max3A_13 = arith.maximumf %add3A_11, %max3A_12 : vector<1024x128xf32>
    %get3A_14 = arith.constant 1 : index
    %get3A_15 = arith.constant 0 : index
    %get3A_16 = arith.constant 0 : index
    %get3A_17 = vector.load %arg1[%get3A_14, %get3A_15, %get3A_16] : memref<3x1024x128xf32, #tpu.memory_space<vmem>>, vector<1x1024x128xf32>
    %get3A_18 = vector.shape_cast %get3A_17 : vector<1x1024x128xf32> to vector<1024x128xf32>
    %mul3A_19 = vector.broadcast %get3A_1 : vector<1x128xf32> to vector<1024x128xf32>
    %mul3A_20 = arith.mulf %get3A_18, %mul3A_19 : vector<1024x128xf32>
    %add3A_21 = vector.broadcast %get3A_4 : vector<1x128xf32> to vector<1024x128xf32>
    %add3A_22 = arith.addf %mul3A_20, %add3A_21 : vector<1024x128xf32>
    %max3A_23 = arith.constant 0.000000e+00 : f32
    %max3A_24 = vector.broadcast %max3A_23 : f32 to vector<1024x128xf32>
    %max3A_25 = arith.maximumf %add3A_22, %max3A_24 : vector<1024x128xf32>
    %get3A_26 = arith.constant 2 : index
    %get3A_27 = arith.constant 0 : index
    %get3A_28 = arith.constant 0 : index
    %get3A_29 = vector.load %arg1[%get3A_26, %get3A_27, %get3A_28] : memref<3x1024x128xf32, #tpu.memory_space<vmem>>, vector<1x1024x128xf32>
    %get3A_30 = vector.shape_cast %get3A_29 : vector<1x1024x128xf32> to vector<1024x128xf32>
    %mul3A_31 = vector.broadcast %get3A_1 : vector<1x128xf32> to vector<1024x128xf32>
    %mul3A_32 = arith.mulf %get3A_30, %mul3A_31 : vector<1024x128xf32>
    %add3A_33 = vector.broadcast %get3A_4 : vector<1x128xf32> to vector<1024x128xf32>
    %add3A_34 = arith.addf %mul3A_32, %add3A_33 : vector<1024x128xf32>
    %max3A_35 = arith.constant 0.000000e+00 : f32
    %max3A_36 = vector.broadcast %max3A_35 : f32 to vector<1024x128xf32>
    %max3A_37 = arith.maximumf %add3A_34, %max3A_36 : vector<1024x128xf32>
    %max3A_38 = arith.maximumf %max3A_13, %max3A_25 : vector<1024x128xf32>
    %max3A_39 = arith.maximumf %max3A_38, %max3A_37 : vector<1024x128xf32>
    %swap3A = arith.constant 0 : index
    %swap3A_40 = arith.constant 0 : index
    %swap3A_41 = vector.load %arg5[%swap3A, %swap3A_40] : memref<1024x128xf32, #tpu.memory_space<vmem>>, vector<1024x128xf32>
    tpu.vector_store %arg5[%swap3A, %swap3A_40], %max3A_39 {strides = array<i32>} : memref<1024x128xf32, #tpu.memory_space<vmem>>, vector<1024x128xf32>,
    %broadcast_in_dim3A = arith.constant 0.000000e+00 : f32
    %broadcast_in_dim3A_42 = vector.broadcast %broadcast_in_dim3A : f32 to vector<1x256xf32>
    %broadcast_in_dim3A_43 = arith.constant 0.000000e+00 : f32
    %broadcast_in_dim3A_44 = vector.broadcast %broadcast_in_dim3A_43 : f32 to vector<1x256xf32>
    %get3A_45 = arith.constant 0 : index
    %get3A_46 = arith.constant 0 : index
    %get3A_47 = vector.load %arg4[%get3A_45, %get3A_46] : memref<128x256xf32, #tpu.memory_space<vmem>>, vector<128x256xf32>
    %dot_general3A = arith.constant dense<0.000000e+00> : vector<1024x256xf32>
    %dot_general3A_48 = tpu.matmul %max3A_13, %get3A_47, %dot_general3A {dimension_numbers = #tpu.dot_dimension_numbers<[1], [0], [0], [1], [0, 0, 1, 1], [], []>, transpose_lhs_hint = false} : vector<1024x128xf32>, vector<128x256xf32>, vector<1024x256xf32> -> vector<1024x256xf32>
    %reduce_sum3A = arith.constant dense<0.000000e+00> : vector<256xf32>
    %reduce_sum3A_49 = vector.multi_reduction <add>, %dot_general3A_48, %reduce_sum3A [0] : vector<1024x256xf32> to vector<256xf32>
    %broadcast_in_dim3A_50 = vector.shape_cast %reduce_sum3A_49 : vector<256xf32> to vector<1x256xf32>
    %add3A_51 = arith.addf %broadcast_in_dim3A_42, %broadcast_in_dim3A_50 : vector<1x256xf32>
    %mul3A_52 = arith.mulf %dot_general3A_48, %dot_general3A_48 : vector<1024x256xf32>
    %reduce_sum3A_53 = arith.constant dense<0.000000e+00> : vector<256xf32>
    %reduce_sum3A_54 = vector.multi_reduction <add>, %mul3A_52, %reduce_sum3A_53 [0] : vector<1024x256xf32> to vector<256xf32>
    %broadcast_in_dim3A_55 = vector.shape_cast %reduce_sum3A_54 : vector<256xf32> to vector<1x256xf32>
    %add3A_56 = arith.addf %broadcast_in_dim3A_44, %broadcast_in_dim3A_55 : vector<1x256xf32>
    %get3A_57 = arith.constant 0 : index
    %get3A_58 = arith.constant 0 : index
    %get3A_59 = vector.load %arg4[%get3A_57, %get3A_58] : memref<128x256xf32, #tpu.memory_space<vmem>>, vector<128x256xf32>
    %dot_general3A_60 = arith.constant dense<0.000000e+00> : vector<1024x256xf32>
    %dot_general3A_61 = tpu.matmul %max3A_25, %get3A_59, %dot_general3A_60 {dimension_numbers = #tpu.dot_dimension_numbers<[1], [0], [0], [1], [0, 0, 1, 1], [], []>, transpose_lhs_hint = false} : vector<1024x128xf32>, vector<128x256xf32>, vector<1024x256xf32> -> vector<1024x256xf32>
    %reduce_sum3A_62 = arith.constant dense<0.000000e+00> : vector<256xf32>
    %reduce_sum3A_63 = vector.multi_reduction <add>, %dot_general3A_61, %reduce_sum3A_62 [0] : vector<1024x256xf32> to vector<256xf32>
    %broadcast_in_dim3A_64 = vector.shape_cast %reduce_sum3A_63 : vector<256xf32> to vector<1x256xf32>
    %add3A_65 = arith.addf %add3A_51, %broadcast_in_dim3A_64 : vector<1x256xf32>
    %mul3A_66 = arith.mulf %dot_general3A_61, %dot_general3A_61 : vector<1024x256xf32>
    %reduce_sum3A_67 = arith.constant dense<0.000000e+00> : vector<256xf32>
    %reduce_sum3A_68 = vector.multi_reduction <add>, %mul3A_66, %reduce_sum3A_67 [0] : vector<1024x256xf32> to vector<256xf32>
    %broadcast_in_dim3A_69 = vector.shape_cast %reduce_sum3A_68 : vector<256xf32> to vector<1x256xf32>
    %add3A_70 = arith.addf %add3A_56, %broadcast_in_dim3A_69 : vector<1x256xf32>
    %get3A_71 = arith.constant 0 : index
    %get3A_72 = arith.constant 0 : index
    %get3A_73 = vector.load %arg4[%get3A_71, %get3A_72] : memref<128x256xf32, #tpu.memory_space<vmem>>, vector<128x256xf32>
    %dot_general3A_74 = arith.constant dense<0.000000e+00> : vector<1024x256xf32>
    %dot_general3A_75 = tpu.matmul %max3A_37, %get3A_73, %dot_general3A_74 {dimension_numbers = #tpu.dot_dimension_numbers<[1], [0], [0], [1], [0, 0, 1, 1], [], []>, transpose_lhs_hint = false} : vector<1024x128xf32>, vector<128x256xf32>, vector<1024x256xf32> -> vector<1024x256xf32>
    %reduce_sum3A_76 = arith.constant dense<0.000000e+00> : vector<256xf32>
    %reduce_sum3A_77 = vector.multi_reduction <add>, %dot_general3A_75, %reduce_sum3A_76 [0] : vector<1024x256xf32> to vector<256xf32>
    %broadcast_in_dim3A_78 = vector.shape_cast %reduce_sum3A_77 : vector<256xf32> to vector<1x256xf32>
    %add3A_79 = arith.addf %add3A_65, %broadcast_in_dim3A_78 : vector<1x256xf32>
    %mul3A_80 = arith.mulf %dot_general3A_75, %dot_general3A_75 : vector<1024x256xf32>
    %reduce_sum3A_81 = arith.constant dense<0.000000e+00> : vector<256xf32>
    %reduce_sum3A_82 = vector.multi_reduction <add>, %mul3A_80, %reduce_sum3A_81 [0] : vector<1024x256xf32> to vector<256xf32>
    %broadcast_in_dim3A_83 = vector.shape_cast %reduce_sum3A_82 : vector<256xf32> to vector<1x256xf32>
    %add3A_84 = arith.addf %add3A_70, %broadcast_in_dim3A_83 : vector<1x256xf32>
    %eq3A = arith.constant 0 : i32
    %eq3A_85 = arith.cmpi eq, %arg0, %eq3A : i32
    %convert_element_type3A = arith.extui %eq3A_85 : i1 to i32
    %cond3A = arith.constant 0 : i32
    %cond3A_86 = arith.cmpi ne, %convert_element_type3A, %cond3A : i32
    scf.if %cond3A_86 {
      %broadcast_in_dim3A_101 = arith.constant 0.000000e+00 : f32
      %broadcast_in_dim3A_102 = vector.broadcast %broadcast_in_dim3A_101 : f32 to vector<1x256xf32>
      %swap3A_103 = arith.constant 0 : index
      %swap3A_104 = arith.constant 0 : index
      %swap3A_105 = vector.load %arg6[%swap3A_103, %swap3A_104] : memref<1x256xf32, #tpu.memory_space<vmem>>, vector<1x256xf32>
      tpu.vector_store %arg6[%swap3A_103, %swap3A_104], %broadcast_in_dim3A_102 {strides = array<i32>} : memref<1x256xf32, #tpu.memory_space<vmem>>, vector<1x256xf32>,
      %broadcast_in_dim3A_106 = arith.constant 0.000000e+00 : f32
      %broadcast_in_dim3A_107 = vector.broadcast %broadcast_in_dim3A_106 : f32 to vector<1x256xf32>
      %swap3A_108 = arith.constant 0 : index
      %swap3A_109 = arith.constant 0 : index
      %swap3A_110 = vector.load %arg7[%swap3A_108, %swap3A_109] : memref<1x256xf32, #tpu.memory_space<vmem>>, vector<1x256xf32>
      tpu.vector_store %arg7[%swap3A_108, %swap3A_109], %broadcast_in_dim3A_107 {strides = array<i32>} : memref<1x256xf32, #tpu.memory_space<vmem>>, vector<1x256xf32>,
    } else {
    }
    %get3A_87 = arith.constant 0 : index
    %get3A_88 = arith.constant 0 : index
    %get3A_89 = vector.load %arg6[%get3A_87, %get3A_88] : memref<1x256xf32, #tpu.memory_space<vmem>>, vector<1x256xf32>
    %add3A_90 = arith.addf %get3A_89, %add3A_79 : vector<1x256xf32>
    %swap3A_91 = arith.constant 0 : index
    %swap3A_92 = arith.constant 0 : index
    %swap3A_93 = vector.load %arg6[%swap3A_91, %swap3A_92] : memref<1x256xf32, #tpu.memory_space<vmem>>, vector<1x256xf32>
    tpu.vector_store %arg6[%swap3A_91, %swap3A_92], %add3A_90 {strides = array<i32>} : memref<1x256xf32, #tpu.memory_space<vmem>>, vector<1x256xf32>,
    %get3A_94 = arith.constant 0 : index
    %get3A_95 = arith.constant 0 : index
    %get3A_96 = vector.load %arg7[%get3A_94, %get3A_95] : memref<1x256xf32, #tpu.memory_space<vmem>>, vector<1x256xf32>
    %add3A_97 = arith.addf %get3A_96, %add3A_84 : vector<1x256xf32>
    %swap3A_98 = arith.constant 0 : index
    %swap3A_99 = arith.constant 0 : index
    %swap3A_100 = vector.load %arg7[%swap3A_98, %swap3A_99] : memref<1x256xf32, #tpu.memory_space<vmem>>, vector<1x256xf32>
    tpu.vector_store %arg7[%swap3A_98, %swap3A_99], %add3A_97 {strides = array<i32>} : memref<1x256xf32, #tpu.memory_space<vmem>>, vector<1x256xf32>,
    return
  }
  func.func @transform_0(%arg0: i32) -> (i32, i32, i32) {
    %c0_i32 = arith.constant 0 : i32
    %c0_i32_0 = arith.constant 0 : i32
    %c0_i32_1 = arith.constant 0 : i32
    return %c0_i32, %arg0, %c0_i32_0 : i32, i32, i32
  }
  func.func @transform_1(%arg0: i32) -> (i32, i32) {
    %c0_i32 = arith.constant 0 : i32
    %c0_i32_0 = arith.constant 0 : i32
    %c0_i32_1 = arith.constant 0 : i32
    return %c0_i32, %c0_i32_0 : i32, i32
  }
  func.func @transform_2(%arg0: i32) -> (i32, i32) {
    %c0_i32 = arith.constant 0 : i32
    %c0_i32_0 = arith.constant 0 : i32
    %c0_i32_1 = arith.constant 0 : i32
    return %c0_i32, %c0_i32_0 : i32, i32
  }
  func.func @transform_3(%arg0: i32) -> (i32, i32) {
    %c0_i32 = arith.constant 0 : i32
    %c0_i32_0 = arith.constant 0 : i32
    %c0_i32_1 = arith.constant 0 : i32
    return %c0_i32, %c0_i32_0 : i32, i32
  }
  func.func @transform_4(%arg0: i32) -> (i32, i32) {
    %c0_i32 = arith.constant 0 : i32
    %c0_i32_0 = arith.constant 0 : i32
    return %arg0, %c0_i32 : i32, i32
  }
  func.func @transform_5(%arg0: i32) -> (i32, i32) {
    %c0_i32 = arith.constant 0 : i32
    %c0_i32_0 = arith.constant 0 : i32
    %c0_i32_1 = arith.constant 0 : i32
    return %c0_i32, %c0_i32_0 : i32, i32
  }
  func.func @transform_6(%arg0: i32) -> (i32, i32) {
    %c0_i32 = arith.constant 0 : i32
    %c0_i32_0 = arith.constant 0 : i32
    %c0_i32_1 = arith.constant 0 : i32
    return %c0_i32, %c0_i32_0 : i32, i32
  }
}

module attributes {stable_mosaic.version = 14 : i64} {
  func.func @_out_body(%arg0: i32, %arg1: i32, %arg2: memref<1024x512xf32, #tpu.memory_space<vmem>>, %arg3: memref<1x512xf32, #tpu.memory_space<vmem>>, %arg4: memref<1x512xf32, #tpu.memory_space<vmem>>, %arg5: memref<1x512x1024xf32, #tpu.memory_space<vmem>>) attributes {dimension_semantics = [#tpu.dimension_semantics<arbitrary>, #tpu.dimension_semantics<arbitrary>], iteration_bounds = array<i64: 4, 4>, scalar_prefetch = 0 : i64, scratch_operands = 0 : i64, tpu.core_type = #tpu.core_type<tc>, window_params = [{transform_indices = @transform_0, window_bounds = array<i64: 1024, 512>}, {pipeline_mode = #tpu.pipeline_mode<synchronous>, transform_indices = @transform_1, window_bounds = array<i64: 1, 512>}, {pipeline_mode = #tpu.pipeline_mode<synchronous>, transform_indices = @transform_2, window_bounds = array<i64: 1, 512>}, {transform_indices = @transform_3, window_bounds = array<i64: 1, 512, 1024>}]} {
    %get3A = arith.constant 0 : index
    %get3A_0 = arith.constant 0 : index
    %get3A_1 = vector.load %arg2[%get3A, %get3A_0] : memref<1024x512xf32, #tpu.memory_space<vmem>>, vector<1024x512xf32>
    %get3A_2 = arith.constant 0 : index
    %get3A_3 = arith.constant 0 : index
    %get3A_4 = vector.load %arg3[%get3A_2, %get3A_3] : memref<1x512xf32, #tpu.memory_space<vmem>>, vector<1x512xf32>
    %mul3A = vector.broadcast %get3A_4 : vector<1x512xf32> to vector<1024x512xf32>
    %mul3A_5 = arith.mulf %get3A_1, %mul3A : vector<1024x512xf32>
    %get3A_6 = arith.constant 0 : index
    %get3A_7 = arith.constant 0 : index
    %get3A_8 = vector.load %arg4[%get3A_6, %get3A_7] : memref<1x512xf32, #tpu.memory_space<vmem>>, vector<1x512xf32>
    %add3A = vector.broadcast %get3A_8 : vector<1x512xf32> to vector<1024x512xf32>
    %add3A_9 = arith.addf %mul3A_5, %add3A : vector<1024x512xf32>
    %max3A = arith.constant 0.000000e+00 : f32
    %max3A_10 = vector.broadcast %max3A : f32 to vector<1024x512xf32>
    %max3A_11 = arith.maximumf %add3A_9, %max3A_10 : vector<1024x512xf32>
    %transpose3A = tpu.transpose %max3A_11, [1, 0] : vector<1024x512xf32> -> vector<512x1024xf32>
    %swap3A = arith.constant 0 : index
    %swap3A_12 = arith.constant 0 : index
    %swap3A_13 = arith.constant 0 : index
    %swap3A_14 = vector.load %arg5[%swap3A, %swap3A_12, %swap3A_13] : memref<1x512x1024xf32, #tpu.memory_space<vmem>>, vector<1x512x1024xf32>
    %swap3A_15 = vector.shape_cast %swap3A_14 : vector<1x512x1024xf32> to vector<512x1024xf32>
    %swap3A_16 = vector.shape_cast %transpose3A : vector<512x1024xf32> to vector<1x512x1024xf32>
    tpu.vector_store %arg5[%swap3A, %swap3A_12, %swap3A_13], %swap3A_16 {strides = array<i32>} : memref<1x512x1024xf32, #tpu.memory_space<vmem>>, vector<1x512x1024xf32>,
    return
  }
  func.func @transform_0(%arg0: i32, %arg1: i32) -> (i32, i32) {
    %mul3A = arith.constant 4 : i32
    %mul3A_0 = arith.muli %arg0, %mul3A : i32
    %add3A = arith.addi %mul3A_0, %arg1 : i32
    %c0_i32 = arith.constant 0 : i32
    %c0_i32_1 = arith.constant 0 : i32
    return %add3A, %c0_i32 : i32, i32
  }
  func.func @transform_1(%arg0: i32, %arg1: i32) -> (i32, i32) {
    %c0_i32 = arith.constant 0 : i32
    %c0_i32_0 = arith.constant 0 : i32
    %c0_i32_1 = arith.constant 0 : i32
    return %c0_i32, %c0_i32_0 : i32, i32
  }
  func.func @transform_2(%arg0: i32, %arg1: i32) -> (i32, i32) {
    %c0_i32 = arith.constant 0 : i32
    %c0_i32_0 = arith.constant 0 : i32
    %c0_i32_1 = arith.constant 0 : i32
    return %c0_i32, %c0_i32_0 : i32, i32
  }
  func.func @transform_3(%arg0: i32, %arg1: i32) -> (i32, i32, i32) {
    %c0_i32 = arith.constant 0 : i32
    %c0_i32_0 = arith.constant 0 : i32
    return %arg0, %c0_i32, %arg1 : i32, i32, i32
  }
}

module attributes {stable_mosaic.version = 14 : i64} {
  func.func @_final_conv_body(%arg0: i32, %arg1: memref<3x1024x128xf32, #tpu.memory_space<vmem>>, %arg2: memref<1x128xf32, #tpu.memory_space<vmem>>, %arg3: memref<1x128xf32, #tpu.memory_space<vmem>>, %arg4: memref<128x256xf32, #tpu.memory_space<vmem>>, %arg5: memref<1x256xf32, #tpu.memory_space<vmem>>, %arg6: memref<1x256xf32, #tpu.memory_space<vmem>>, %arg7: memref<1024x32xf32, #tpu.memory_space<vmem>>, %arg8: memref<1024x64xf32, #tpu.memory_space<vmem>>, %arg9: memref<1024x128xf32, #tpu.memory_space<vmem>>, %arg10: memref<32x512xf32, #tpu.memory_space<vmem>>, %arg11: memref<64x512xf32, #tpu.memory_space<vmem>>, %arg12: memref<128x512xf32, #tpu.memory_space<vmem>>, %arg13: memref<256x512xf32, #tpu.memory_space<vmem>>, %arg14: memref<1024x512xf32, #tpu.memory_space<vmem>>, %arg15: memref<1x512xf32, #tpu.memory_space<vmem>>, %arg16: memref<1x512xf32, #tpu.memory_space<vmem>>) attributes {dimension_semantics = [#tpu.dimension_semantics<arbitrary>], iteration_bounds = array<i64: 16>, scalar_prefetch = 0 : i64, scratch_operands = 0 : i64, tpu.core_type = #tpu.core_type<tc>, window_params = [{transform_indices = @transform_0, window_bounds = array<i64: 3, 1024, 128>}, {pipeline_mode = #tpu.pipeline_mode<synchronous>, transform_indices = @transform_1, window_bounds = array<i64: 1, 128>}, {pipeline_mode = #tpu.pipeline_mode<synchronous>, transform_indices = @transform_2, window_bounds = array<i64: 1, 128>}, {pipeline_mode = #tpu.pipeline_mode<synchronous>, transform_indices = @transform_3, window_bounds = array<i64: 128, 256>}, {pipeline_mode = #tpu.pipeline_mode<synchronous>, transform_indices = @transform_4, window_bounds = array<i64: 1, 256>}, {pipeline_mode = #tpu.pipeline_mode<synchronous>, transform_indices = @transform_5, window_bounds = array<i64: 1, 256>}, {transform_indices = @transform_6, window_bounds = array<i64: 1024, 32>}, {transform_indices = @transform_7, window_bounds = array<i64: 1024, 64>}, {transform_indices = @transform_8, window_bounds = array<i64: 1024, 128>}, {pipeline_mode = #tpu.pipeline_mode<synchronous>, transform_indices = @transform_9, window_bounds = array<i64: 32, 512>}, {pipeline_mode = #tpu.pipeline_mode<synchronous>, transform_indices = @transform_10, window_bounds = array<i64: 64, 512>}, {pipeline_mode = #tpu.pipeline_mode<synchronous>, transform_indices = @transform_11, window_bounds = array<i64: 128, 512>}, {pipeline_mode = #tpu.pipeline_mode<synchronous>, transform_indices = @transform_12, window_bounds = array<i64: 256, 512>}, {transform_indices = @transform_13, window_bounds = array<i64: 1024, 512>}, {pipeline_mode = #tpu.pipeline_mode<synchronous>, transform_indices = @transform_14, window_bounds = array<i64: 1, 512>}, {pipeline_mode = #tpu.pipeline_mode<synchronous>, transform_indices = @transform_15, window_bounds = array<i64: 1, 512>}]} {
    %get3A = arith.constant 0 : index
    %get3A_0 = arith.constant 0 : index
    %get3A_1 = vector.load %arg2[%get3A, %get3A_0] : memref<1x128xf32, #tpu.memory_space<vmem>>, vector<1x128xf32>
    %get3A_2 = arith.constant 0 : index
    %get3A_3 = arith.constant 0 : index
    %get3A_4 = vector.load %arg3[%get3A_2, %get3A_3] : memref<1x128xf32, #tpu.memory_space<vmem>>, vector<1x128xf32>
    %get3A_5 = arith.constant 0 : index
    %get3A_6 = arith.constant 0 : index
    %get3A_7 = vector.load %arg5[%get3A_5, %get3A_6] : memref<1x256xf32, #tpu.memory_space<vmem>>, vector<1x256xf32>
    %get3A_8 = arith.constant 0 : index
    %get3A_9 = arith.constant 0 : index
    %get3A_10 = vector.load %arg6[%get3A_8, %get3A_9] : memref<1x256xf32, #tpu.memory_space<vmem>>, vector<1x256xf32>
    %get3A_11 = arith.constant 0 : index
    %get3A_12 = arith.constant 0 : index
    %get3A_13 = arith.constant 0 : index
    %get3A_14 = vector.load %arg1[%get3A_11, %get3A_12, %get3A_13] : memref<3x1024x128xf32, #tpu.memory_space<vmem>>, vector<1x1024x128xf32>
    %get3A_15 = vector.shape_cast %get3A_14 : vector<1x1024x128xf32> to vector<1024x128xf32>
    %mul3A = vector.broadcast %get3A_1 : vector<1x128xf32> to vector<1024x128xf32>
    %mul3A_16 = arith.mulf %get3A_15, %mul3A : vector<1024x128xf32>
    %add3A = vector.broadcast %get3A_4 : vector<1x128xf32> to vector<1024x128xf32>
    %add3A_17 = arith.addf %mul3A_16, %add3A : vector<1024x128xf32>
    %max3A = arith.constant 0.000000e+00 : f32
    %max3A_18 = vector.broadcast %max3A : f32 to vector<1024x128xf32>
    %max3A_19 = arith.maximumf %add3A_17, %max3A_18 : vector<1024x128xf32>
    %get3A_20 = arith.constant 0 : index
    %get3A_21 = arith.constant 0 : index
    %get3A_22 = vector.load %arg4[%get3A_20, %get3A_21] : memref<128x256xf32, #tpu.memory_space<vmem>>, vector<128x256xf32>
    %dot_general3A = arith.constant dense<0.000000e+00> : vector<1024x256xf32>
    %dot_general3A_23 = tpu.matmul %max3A_19, %get3A_22, %dot_general3A {dimension_numbers = #tpu.dot_dimension_numbers<[1], [0], [0], [1], [0, 0, 1, 1], [], []>, transpose_lhs_hint = false} : vector<1024x128xf32>, vector<128x256xf32>, vector<1024x256xf32> -> vector<1024x256xf32>
    %mul3A_24 = vector.broadcast %get3A_7 : vector<1x256xf32> to vector<1024x256xf32>
    %mul3A_25 = arith.mulf %dot_general3A_23, %mul3A_24 : vector<1024x256xf32>
    %add3A_26 = vector.broadcast %get3A_10 : vector<1x256xf32> to vector<1024x256xf32>
    %add3A_27 = arith.addf %mul3A_25, %add3A_26 : vector<1024x256xf32>
    %max3A_28 = arith.constant 0.000000e+00 : f32
    %max3A_29 = vector.broadcast %max3A_28 : f32 to vector<1024x256xf32>
    %max3A_30 = arith.maximumf %add3A_27, %max3A_29 : vector<1024x256xf32>
    %get3A_31 = arith.constant 1 : index
    %get3A_32 = arith.constant 0 : index
    %get3A_33 = arith.constant 0 : index
    %get3A_34 = vector.load %arg1[%get3A_31, %get3A_32, %get3A_33] : memref<3x1024x128xf32, #tpu.memory_space<vmem>>, vector<1x1024x128xf32>
    %get3A_35 = vector.shape_cast %get3A_34 : vector<1x1024x128xf32> to vector<1024x128xf32>
    %mul3A_36 = vector.broadcast %get3A_1 : vector<1x128xf32> to vector<1024x128xf32>
    %mul3A_37 = arith.mulf %get3A_35, %mul3A_36 : vector<1024x128xf32>
    %add3A_38 = vector.broadcast %get3A_4 : vector<1x128xf32> to vector<1024x128xf32>
    %add3A_39 = arith.addf %mul3A_37, %add3A_38 : vector<1024x128xf32>
    %max3A_40 = arith.constant 0.000000e+00 : f32
    %max3A_41 = vector.broadcast %max3A_40 : f32 to vector<1024x128xf32>
    %max3A_42 = arith.maximumf %add3A_39, %max3A_41 : vector<1024x128xf32>
    %get3A_43 = arith.constant 0 : index
    %get3A_44 = arith.constant 0 : index
    %get3A_45 = vector.load %arg4[%get3A_43, %get3A_44] : memref<128x256xf32, #tpu.memory_space<vmem>>, vector<128x256xf32>
    %dot_general3A_46 = arith.constant dense<0.000000e+00> : vector<1024x256xf32>
    %dot_general3A_47 = tpu.matmul %max3A_42, %get3A_45, %dot_general3A_46 {dimension_numbers = #tpu.dot_dimension_numbers<[1], [0], [0], [1], [0, 0, 1, 1], [], []>, transpose_lhs_hint = false} : vector<1024x128xf32>, vector<128x256xf32>, vector<1024x256xf32> -> vector<1024x256xf32>
    %mul3A_48 = vector.broadcast %get3A_7 : vector<1x256xf32> to vector<1024x256xf32>
    %mul3A_49 = arith.mulf %dot_general3A_47, %mul3A_48 : vector<1024x256xf32>
    %add3A_50 = vector.broadcast %get3A_10 : vector<1x256xf32> to vector<1024x256xf32>
    %add3A_51 = arith.addf %mul3A_49, %add3A_50 : vector<1024x256xf32>
    %max3A_52 = arith.constant 0.000000e+00 : f32
    %max3A_53 = vector.broadcast %max3A_52 : f32 to vector<1024x256xf32>
    %max3A_54 = arith.maximumf %add3A_51, %max3A_53 : vector<1024x256xf32>
    %max3A_55 = arith.maximumf %max3A_30, %max3A_54 : vector<1024x256xf32>
    %get3A_56 = arith.constant 2 : index
    %get3A_57 = arith.constant 0 : index
    %get3A_58 = arith.constant 0 : index
    %get3A_59 = vector.load %arg1[%get3A_56, %get3A_57, %get3A_58] : memref<3x1024x128xf32, #tpu.memory_space<vmem>>, vector<1x1024x128xf32>
    %get3A_60 = vector.shape_cast %get3A_59 : vector<1x1024x128xf32> to vector<1024x128xf32>
    %mul3A_61 = vector.broadcast %get3A_1 : vector<1x128xf32> to vector<1024x128xf32>
    %mul3A_62 = arith.mulf %get3A_60, %mul3A_61 : vector<1024x128xf32>
    %add3A_63 = vector.broadcast %get3A_4 : vector<1x128xf32> to vector<1024x128xf32>
    %add3A_64 = arith.addf %mul3A_62, %add3A_63 : vector<1024x128xf32>
    %max3A_65 = arith.constant 0.000000e+00 : f32
    %max3A_66 = vector.broadcast %max3A_65 : f32 to vector<1024x128xf32>
    %max3A_67 = arith.maximumf %add3A_64, %max3A_66 : vector<1024x128xf32>
    %get3A_68 = arith.constant 0 : index
    %get3A_69 = arith.constant 0 : index
    %get3A_70 = vector.load %arg4[%get3A_68, %get3A_69] : memref<128x256xf32, #tpu.memory_space<vmem>>, vector<128x256xf32>
    %dot_general3A_71 = arith.constant dense<0.000000e+00> : vector<1024x256xf32>
    %dot_general3A_72 = tpu.matmul %max3A_67, %get3A_70, %dot_general3A_71 {dimension_numbers = #tpu.dot_dimension_numbers<[1], [0], [0], [1], [0, 0, 1, 1], [], []>, transpose_lhs_hint = false} : vector<1024x128xf32>, vector<128x256xf32>, vector<1024x256xf32> -> vector<1024x256xf32>
    %mul3A_73 = vector.broadcast %get3A_7 : vector<1x256xf32> to vector<1024x256xf32>
    %mul3A_74 = arith.mulf %dot_general3A_72, %mul3A_73 : vector<1024x256xf32>
    %add3A_75 = vector.broadcast %get3A_10 : vector<1x256xf32> to vector<1024x256xf32>
    %add3A_76 = arith.addf %mul3A_74, %add3A_75 : vector<1024x256xf32>
    %max3A_77 = arith.constant 0.000000e+00 : f32
    %max3A_78 = vector.broadcast %max3A_77 : f32 to vector<1024x256xf32>
    %max3A_79 = arith.maximumf %add3A_76, %max3A_78 : vector<1024x256xf32>
    %max3A_80 = arith.maximumf %max3A_55, %max3A_79 : vector<1024x256xf32>
    %get3A_81 = arith.constant 0 : index
    %get3A_82 = arith.constant 0 : index
    %get3A_83 = vector.load %arg7[%get3A_81, %get3A_82] : memref<1024x32xf32, #tpu.memory_space<vmem>>, vector<1024x32xf32>
    %get3A_84 = arith.constant 0 : index
    %get3A_85 = arith.constant 0 : index
    %get3A_86 = vector.load %arg10[%get3A_84, %get3A_85] : memref<32x512xf32, #tpu.memory_space<vmem>>, vector<32x512xf32>
    %dot_general3A_87 = arith.constant dense<0.000000e+00> : vector<1024x512xf32>
    %dot_general3A_88 = tpu.matmul %get3A_83, %get3A_86, %dot_general3A_87 {dimension_numbers = #tpu.dot_dimension_numbers<[1], [0], [0], [1], [0, 0, 1, 1], [], []>, transpose_lhs_hint = false} : vector<1024x32xf32>, vector<32x512xf32>, vector<1024x512xf32> -> vector<1024x512xf32>
    %get3A_89 = arith.constant 0 : index
    %get3A_90 = arith.constant 0 : index
    %get3A_91 = vector.load %arg8[%get3A_89, %get3A_90] : memref<1024x64xf32, #tpu.memory_space<vmem>>, vector<1024x64xf32>
    %get3A_92 = arith.constant 0 : index
    %get3A_93 = arith.constant 0 : index
    %get3A_94 = vector.load %arg11[%get3A_92, %get3A_93] : memref<64x512xf32, #tpu.memory_space<vmem>>, vector<64x512xf32>
    %dot_general3A_95 = arith.constant dense<0.000000e+00> : vector<1024x512xf32>
    %dot_general3A_96 = tpu.matmul %get3A_91, %get3A_94, %dot_general3A_95 {dimension_numbers = #tpu.dot_dimension_numbers<[1], [0], [0], [1], [0, 0, 1, 1], [], []>, transpose_lhs_hint = false} : vector<1024x64xf32>, vector<64x512xf32>, vector<1024x512xf32> -> vector<1024x512xf32>
    %add3A_97 = arith.addf %dot_general3A_88, %dot_general3A_96 : vector<1024x512xf32>
    %get3A_98 = arith.constant 0 : index
    %get3A_99 = arith.constant 0 : index
    %get3A_100 = vector.load %arg9[%get3A_98, %get3A_99] : memref<1024x128xf32, #tpu.memory_space<vmem>>, vector<1024x128xf32>
    %get3A_101 = arith.constant 0 : index
    %get3A_102 = arith.constant 0 : index
    %get3A_103 = vector.load %arg12[%get3A_101, %get3A_102] : memref<128x512xf32, #tpu.memory_space<vmem>>, vector<128x512xf32>
    %dot_general3A_104 = arith.constant dense<0.000000e+00> : vector<1024x512xf32>
    %dot_general3A_105 = tpu.matmul %get3A_100, %get3A_103, %dot_general3A_104 {dimension_numbers = #tpu.dot_dimension_numbers<[1], [0], [0], [1], [0, 0, 1, 1], [], []>, transpose_lhs_hint = false} : vector<1024x128xf32>, vector<128x512xf32>, vector<1024x512xf32> -> vector<1024x512xf32>
    %add3A_106 = arith.addf %add3A_97, %dot_general3A_105 : vector<1024x512xf32>
    %get3A_107 = arith.constant 0 : index
    %get3A_108 = arith.constant 0 : index
    %get3A_109 = vector.load %arg13[%get3A_107, %get3A_108] : memref<256x512xf32, #tpu.memory_space<vmem>>, vector<256x512xf32>
    %dot_general3A_110 = arith.constant dense<0.000000e+00> : vector<1024x512xf32>
    %dot_general3A_111 = tpu.matmul %max3A_80, %get3A_109, %dot_general3A_110 {dimension_numbers = #tpu.dot_dimension_numbers<[1], [0], [0], [1], [0, 0, 1, 1], [], []>, transpose_lhs_hint = false} : vector<1024x256xf32>, vector<256x512xf32>, vector<1024x512xf32> -> vector<1024x512xf32>
    %add3A_112 = arith.addf %add3A_106, %dot_general3A_111 : vector<1024x512xf32>
    %swap3A = arith.constant 0 : index
    %swap3A_113 = arith.constant 0 : index
    %swap3A_114 = vector.load %arg14[%swap3A, %swap3A_113] : memref<1024x512xf32, #tpu.memory_space<vmem>>, vector<1024x512xf32>
    tpu.vector_store %arg14[%swap3A, %swap3A_113], %add3A_112 {strides = array<i32>} : memref<1024x512xf32, #tpu.memory_space<vmem>>, vector<1024x512xf32>,
    %eq3A = arith.constant 0 : i32
    %eq3A_115 = arith.cmpi eq, %arg0, %eq3A : i32
    %convert_element_type3A = arith.extui %eq3A_115 : i1 to i32
    %cond3A = arith.constant 0 : i32
    %cond3A_116 = arith.cmpi ne, %convert_element_type3A, %cond3A : i32
    scf.if %cond3A_116 {
      %broadcast_in_dim3A_136 = arith.constant 0.000000e+00 : f32
      %broadcast_in_dim3A_137 = vector.broadcast %broadcast_in_dim3A_136 : f32 to vector<1x512xf32>
      %swap3A_138 = arith.constant 0 : index
      %swap3A_139 = arith.constant 0 : index
      %swap3A_140 = vector.load %arg15[%swap3A_138, %swap3A_139] : memref<1x512xf32, #tpu.memory_space<vmem>>, vector<1x512xf32>
      tpu.vector_store %arg15[%swap3A_138, %swap3A_139], %broadcast_in_dim3A_137 {strides = array<i32>} : memref<1x512xf32, #tpu.memory_space<vmem>>, vector<1x512xf32>,
      %broadcast_in_dim3A_141 = arith.constant 0.000000e+00 : f32
      %broadcast_in_dim3A_142 = vector.broadcast %broadcast_in_dim3A_141 : f32 to vector<1x512xf32>
      %swap3A_143 = arith.constant 0 : index
      %swap3A_144 = arith.constant 0 : index
      %swap3A_145 = vector.load %arg16[%swap3A_143, %swap3A_144] : memref<1x512xf32, #tpu.memory_space<vmem>>, vector<1x512xf32>
      tpu.vector_store %arg16[%swap3A_143, %swap3A_144], %broadcast_in_dim3A_142 {strides = array<i32>} : memref<1x512xf32, #tpu.memory_space<vmem>>, vector<1x512xf32>,
    } else {
    }
    %get3A_117 = arith.constant 0 : index
    %get3A_118 = arith.constant 0 : index
    %get3A_119 = vector.load %arg15[%get3A_117, %get3A_118] : memref<1x512xf32, #tpu.memory_space<vmem>>, vector<1x512xf32>
    %reduce_sum3A = arith.constant dense<0.000000e+00> : vector<512xf32>
    %reduce_sum3A_120 = vector.multi_reduction <add>, %add3A_112, %reduce_sum3A [0] : vector<1024x512xf32> to vector<512xf32>
    %broadcast_in_dim3A = vector.shape_cast %reduce_sum3A_120 : vector<512xf32> to vector<1x512xf32>
    %add3A_121 = arith.addf %get3A_119, %broadcast_in_dim3A : vector<1x512xf32>
    %swap3A_122 = arith.constant 0 : index
    %swap3A_123 = arith.constant 0 : index
    %swap3A_124 = vector.load %arg15[%swap3A_122, %swap3A_123] : memref<1x512xf32, #tpu.memory_space<vmem>>, vector<1x512xf32>
    tpu.vector_store %arg15[%swap3A_122, %swap3A_123], %add3A_121 {strides = array<i32>} : memref<1x512xf32, #tpu.memory_space<vmem>>, vector<1x512xf32>,
    %get3A_125 = arith.constant 0 : index
    %get3A_126 = arith.constant 0 : index
    %get3A_127 = vector.load %arg16[%get3A_125, %get3A_126] : memref<1x512xf32, #tpu.memory_space<vmem>>, vector<1x512xf32>
    %mul3A_128 = arith.mulf %add3A_112, %add3A_112 : vector<1024x512xf32>
    %reduce_sum3A_129 = arith.constant dense<0.000000e+00> : vector<512xf32>
    %reduce_sum3A_130 = vector.multi_reduction <add>, %mul3A_128, %reduce_sum3A_129 [0] : vector<1024x512xf32> to vector<512xf32>
    %broadcast_in_dim3A_131 = vector.shape_cast %reduce_sum3A_130 : vector<512xf32> to vector<1x512xf32>
    %add3A_132 = arith.addf %get3A_127, %broadcast_in_dim3A_131 : vector<1x512xf32>
    %swap3A_133 = arith.constant 0 : index
    %swap3A_134 = arith.constant 0 : index
    %swap3A_135 = vector.load %arg16[%swap3A_133, %swap3A_134] : memref<1x512xf32, #tpu.memory_space<vmem>>, vector<1x512xf32>
    tpu.vector_store %arg16[%swap3A_133, %swap3A_134], %add3A_132 {strides = array<i32>} : memref<1x512xf32, #tpu.memory_space<vmem>>, vector<1x512xf32>,
    return
  }
  func.func @transform_0(%arg0: i32) -> (i32, i32, i32) {
    %c0_i32 = arith.constant 0 : i32
    %c0_i32_0 = arith.constant 0 : i32
    %c0_i32_1 = arith.constant 0 : i32
    return %c0_i32, %arg0, %c0_i32_0 : i32, i32, i32
  }
  func.func @transform_1(%arg0: i32) -> (i32, i32) {
    %c0_i32 = arith.constant 0 : i32
    %c0_i32_0 = arith.constant 0 : i32
    %c0_i32_1 = arith.constant 0 : i32
    return %c0_i32, %c0_i32_0 : i32, i32
  }
  func.func @transform_2(%arg0: i32) -> (i32, i32) {
    %c0_i32 = arith.constant 0 : i32
    %c0_i32_0 = arith.constant 0 : i32
    %c0_i32_1 = arith.constant 0 : i32
    return %c0_i32, %c0_i32_0 : i32, i32
  }
  func.func @transform_3(%arg0: i32) -> (i32, i32) {
    %c0_i32 = arith.constant 0 : i32
    %c0_i32_0 = arith.constant 0 : i32
    %c0_i32_1 = arith.constant 0 : i32
    return %c0_i32, %c0_i32_0 : i32, i32
  }
  func.func @transform_4(%arg0: i32) -> (i32, i32) {
    %c0_i32 = arith.constant 0 : i32
    %c0_i32_0 = arith.constant 0 : i32
    %c0_i32_1 = arith.constant 0 : i32
    return %c0_i32, %c0_i32_0 : i32, i32
  }
  func.func @transform_5(%arg0: i32) -> (i32, i32) {
    %c0_i32 = arith.constant 0 : i32
    %c0_i32_0 = arith.constant 0 : i32
    %c0_i32_1 = arith.constant 0 : i32
    return %c0_i32, %c0_i32_0 : i32, i32
  }
  func.func @transform_6(%arg0: i32) -> (i32, i32) {
    %c0_i32 = arith.constant 0 : i32
    %c0_i32_0 = arith.constant 0 : i32
    return %arg0, %c0_i32 : i32, i32
  }
  func.func @transform_7(%arg0: i32) -> (i32, i32) {
    %c0_i32 = arith.constant 0 : i32
    %c0_i32_0 = arith.constant 0 : i32
    return %arg0, %c0_i32 : i32, i32
  }
  func.func @transform_8(%arg0: i32) -> (i32, i32) {
    %c0_i32 = arith.constant 0 : i32
    %c0_i32_0 = arith.constant 0 : i32
    return %arg0, %c0_i32 : i32, i32
  }
  func.func @transform_9(%arg0: i32) -> (i32, i32) {
    %c0_i32 = arith.constant 0 : i32
    %c0_i32_0 = arith.constant 0 : i32
    %c0_i32_1 = arith.constant 0 : i32
    return %c0_i32, %c0_i32_0 : i32, i32
  }
  func.func @transform_10(%arg0: i32) -> (i32, i32) {
    %c0_i32 = arith.constant 0 : i32
    %c0_i32_0 = arith.constant 0 : i32
    %c0_i32_1 = arith.constant 0 : i32
    return %c0_i32, %c0_i32_0 : i32, i32
  }
  func.func @transform_11(%arg0: i32) -> (i32, i32) {
    %c0_i32 = arith.constant 0 : i32
    %c0_i32_0 = arith.constant 0 : i32
    %c0_i32_1 = arith.constant 0 : i32
    return %c0_i32, %c0_i32_0 : i32, i32
  }
  func.func @transform_12(%arg0: i32) -> (i32, i32) {
    %c0_i32 = arith.constant 0 : i32
    %c0_i32_0 = arith.constant 0 : i32
    %c0_i32_1 = arith.constant 0 : i32
    return %c0_i32, %c0_i32_0 : i32, i32
  }
  func.func @transform_13(%arg0: i32) -> (i32, i32) {
    %c0_i32 = arith.constant 0 : i32
    %c0_i32_0 = arith.constant 0 : i32
    return %arg0, %c0_i32 : i32, i32
  }
  func.func @transform_14(%arg0: i32) -> (i32, i32) {
    %c0_i32 = arith.constant 0 : i32
    %c0_i32_0 = arith.constant 0 : i32
    %c0_i32_1 = arith.constant 0 : i32
    return %c0_i32, %c0_i32_0 : i32, i32
  }
  func.func @transform_15(%arg0: i32) -> (i32, i32) {
    %c0_i32 = arith.constant 0 : i32
    %c0_i32_0 = arith.constant 0 : i32
    %c0_i32_1 = arith.constant 0 : i32
    return %c0_i32, %c0_i32_0 : i32, i32
  }
}

</mosaic_0001>

<sc_bundles>
// kernel: kernel.10.cloned.1.call-start
scs
__scs_entry_jumppad:
0x0: {  	(pc) =	sbr.rel $0x88, $3  }
0x1: {  	(tag) =	ssettag $0x0;
	lr =	simm.s32 $0x1  }
0x2: {  	[smem:$0x3F91] =	sst lr;
	_ =	strace $0xD0000000  }
0x3: {  	_ = 	snop  }
0x4: {  	_ = 	snop  }
0x5: {  	_ = 	snop  }
0x6: {  	_ = 	snop  }
0x7: {  	_ = 	snop  }
__scs_overlays_trampoline_lowered:
0x8: {  	[smem:$0x3FA0] =	sst s0  }
0x9: {  	[smem:$0x3FA1] =	sst s1  }
0xa: {  	[smem:$0x3FA2] =	sst s2  }
0xb: {  	[smem:$0x3FA3] =	sst s3  }
0xc: {  	[smem:$0x3FA4] =	sst s4  }
0xd: {  	[smem:$0x3FA5] =	sst s5  }
0xe: {  	[smem:$0x3FA6] =	sst s6  }
0xf: {  	[smem:$0x3FA7] =	sst s7  }
0x10: {  	[smem:$0x3FA8] =	sst s8  }
0x11: {  	[smem:$0x3FA9] =	sst s9;
	s0 =	simm.s32 @!p0 $0x0  }
0x12: {  	s1 =	sld [smem:$0x3F8F];
	s0 =	simm.s32 @p0 $0x1  }
0x13: {  	[smem:$0x3FAA] =	sst s0;
	s0 =	simm.s32 @!p1 $0x0  }
0x14: {  	s2 =	sld [smem:$0x3F8E];
	s0 =	simm.s32 @p1 $0x1  }
0x15: {  	[smem:$0x3FAB] =	sst s0;
	s0 =	simm.s32 @!p2 $0x0  }
0x16: {  	s3 =	sld [smem:$0x3FDB];
	s0 =	simm.s32 @p2 $0x1  }
0x17: {  	s4 =	simm.s32 $0x1BF5;
	[smem:$0x3FAD] =	sst s0  }
0x18: {  	s0 =	sld [smem:$0x3F90];
	_ =	swait.ge [sflag:s4], $0x0  }
0x19: {  	s7 =	sld [smem:$0x3F91]  }
0x1a: {  	s8 =	sadd.s32 $0xFFFFE003, lr  }
0x1b: {  	s9 =	sadd.s32 $0xFFFFFEF7, lr;
	s5 =	simm.s32 $0xFFFFFFFF;
	p2 =	slt.u32 s8, $0xFFFFF086  }
0x1c: {  	p1 =	slt.u32 s9, $0xF7A;
	s5 =	simm.s32 @!p2 $0x0  }
0x1d: {  	s5 =	simm.s32 @p1 $0x1;
	p0 =	seq.s32 s7, s2  }
0x1e: {  	s7 =	smul.u32 @!p0 $0xF7A, s2;
	p2 =	seq.s32 @!p0 s5, $0x0  }
0x1f: {  	s9 =	smul.u32 $0xF7A, s1;
	s8 =	simm.s32 @!p0 $0x1BF5;
	p2 =	por !p2, p0  }
0x20: {  	[sflag:s8] =	ssyncset.s32 @!p0 $0xFFFFF086;
	s6 =	sadd.s32 @!p0 s3, s7;
	s7 =	simm.s32 @!p0 $0x108  }
0x21: {  	s3 =	sadd.s32 s3, s9;
	s6 =	sadd.s32 @!p0 $0x88, s6;
	s7 =	simm.s32 @p2 $0x1082  }
0x22: {  	[simem:s7], [sflag:s8] =	dma.local @!p0 [hbm:s6], $0xF7A  }
0x23: {  	s9 =	sor.u32 $0xD0000000, s2;
	s6 =	simm.s32 $0x108;
	_ =	swait.ge @!p0 [sflag:s8], $0x0  }
0x24: {  	s3 =	sadd.s32 $0x88, s3;
	s6 =	simm.s32 @!p1 $0x1082;
	[sflag:s4] =	ssyncset.s32 $0xFFFFF086  }
0x25: {  	[simem:s6], [sflag:s4] =	dma.local [hbm:s3], $0xF7A  }
0x26: {  	[smem:$0x3F91] =	sst s1;
	(tag) =	ssettag s2;
	_ =	strace s9  }
0x27: {  	s1 =	sld [smem:$0x3FA1]  }
0x28: {  	s2 =	sld [smem:$0x3FA2]  }
0x29: {  	s4 =	sld [smem:$0x3FA4]  }
0x2a: {  	p0 =	seq.s32 s5, $0x0;
	s5 =	sld [smem:$0x3FA5]  }
0x2b: {  	s6 =	sld [smem:$0x3FA6]  }
0x2c: {  	s7 =	sld [smem:$0x3FA7]  }
0x2d: {  	s3 =	simm.s32 $0x108;
	s8 =	sld [smem:$0x3FA8]  }
0x2e: {  	s3 =	simm.s32 @!p0 $0x1082;
	s9 =	sld [smem:$0x3FA9]  }
0x2f: {  	lr =	sadd.s32 s0, s3;
	s0 =	sld [smem:$0x3FA0]  }
0x30: {  	s3 =	sld [smem:$0x3FA3]  }
0x31: {  	[smem:$0x3FAC] =	sst s10  }
0x32: {  	s10 =	sld [smem:$0x3FAA];
	_ =	sdelay $0x3  }
0x33: {  	p0 =	seq.s32 s10, $0x1;
	s10 =	sld [smem:$0x3FAC];
	_ =	sdelay $0x3  }
0x34: {  	[smem:$0x3FAC] =	sst s10  }
0x35: {  	s10 =	sld [smem:$0x3FAB];
	_ =	sdelay $0x3  }
0x36: {  	p1 =	seq.s32 s10, $0x1;
	s10 =	sld [smem:$0x3FAC];
	_ =	sdelay $0x3  }
0x37: {  	[smem:$0x3FAC] =	sst s10  }
0x38: {  	s10 =	sld [smem:$0x3FAD]  }
0x39: {  	_ = 	snop;
	(pc) =	sbr.ind lr, $3  }
0x3a: {  	_ = 	snop  }
0x3b: {  	_ = 	snop  }
0x3c: {  	p2 =	seq.s32 s10, $0x1;
	s10 =	sld [smem:$0x3FAC]  }
0x3d: {  	_ =	shalt  }
0x3e: {  	_ =	shalt  }
0x3f: {  	_ =	shalt  }
0x40: {  	_ =	shalt  }
0x41: {  	_ =	shalt  }
0x42: {  	_ =	shalt  }
0x43: {  	_ =	shalt  }
0x44: {  	_ =	shalt  }
0x45: {  	_ =	shalt  }
0x46: {  	_ =	shalt  }
0x47: {  	_ =	shalt  }
0x48: {  	_ =	shalt  }
0x49: {  	_ =	shalt  }
0x4a: {  	_ =	shalt  }
0x4b: {  	_ =	shalt  }
0x4c: {  	_ =	shalt  }
0x4d: {  	_ =	shalt  }
0x4e: {  	_ =	shalt  }
0x4f: {  	_ =	shalt  }
0x50: {  	_ =	shalt  }
0x51: {  	_ =	shalt  }
0x52: {  	_ =	shalt  }
0x53: {  	_ =	shalt  }
0x54: {  	_ =	shalt  }
0x55: {  	_ =	shalt  }
0x56: {  	_ =	shalt  }
0x57: {  	_ =	shalt  }
0x58: {  	_ =	shalt  }
0x59: {  	_ =	shalt  }
0x5a: {  	_ =	shalt  }
0x5b: {  	_ =	shalt  }
0x5c: {  	_ =	shalt  }
0x5d: {  	_ =	shalt  }
0x5e: {  	_ =	shalt  }
0x5f: {  	_ =	shalt  }
0x60: {  	_ =	shalt  }
0x61: {  	_ =	shalt  }
0x62: {  	_ =	shalt  }
0x63: {  	_ =	shalt  }
0x64: {  	_ =	shalt  }
0x65: {  	_ =	shalt  }
0x66: {  	_ =	shalt  }
0x67: {  	_ =	shalt  }
0x68: {  	_ =	shalt  }
0x69: {  	_ =	shalt  }
0x6a: {  	_ =	shalt  }
0x6b: {  	_ =	shalt  }
0x6c: {  	_ =	shalt  }
0x6d: {  	_ =	shalt  }
0x6e: {  	_ =	shalt  }
0x6f: {  	_ =	shalt  }
0x70: {  	_ =	shalt  }
0x71: {  	_ =	shalt  }
0x72: {  	_ =	shalt  }
0x73: {  	_ =	shalt  }
0x74: {  	_ =	shalt  }
0x75: {  	_ =	shalt  }
0x76: {  	_ =	shalt  }
0x77: {  	_ =	shalt  }
0x78: {  	_ =	shalt  }
0x79: {  	_ =	shalt  }
0x7a: {  	_ =	shalt  }
0x7b: {  	_ =	shalt  }
0x7c: {  	_ =	shalt  }
0x7d: {  	_ =	shalt  }
0x7e: {  	_ =	shalt  }
0x7f: {  	_ =	shalt  }
0x80: {  	_ =	shalt  }
0x81: {  	_ =	shalt  }
0x82: {  	_ =	shalt  }
0x83: {  	_ =	shalt  }
0x84: {  	_ =	shalt  }
0x85: {  	_ =	shalt  }
0x86: {  	_ =	shalt  }
0x87: {  	_ =	shalt  }
.Lfunc_end0:
.L_simem_size_0:
called_computation_lowered:
.L_overlay_start_0:
0x88: {  	s2 =	sld [smem:$0x3FD9]  }
0x89: {  	s3 =	sld [smem:$0x3FFE];
	_ =	sdelay $0x1  }
0x8a: {  	s1 =	srdreg.scid  }
0x8b: {  	s0 =	sand.u32 $0x1, s1  }
0x8c: {  	s17 =	sshll.u32 s0, $0xA;
	s2 =	sadd.s32 s3, s2  }
0x8d: {  	s2 =	sadd.s32 s2, s17  }
0x8e: {  	[smem:$0x3FB8] =	sst s2  }
0x8f: {  	_ = 	snop  }
0x90: {  	s2 =	sld [smem:$0x3FD0];
	(tm) =	ssettm $0x1  }
0x91: {  	s18 =	sld [smem:$0x3FFB];
	_ =	sdelay $0x3  }
0x92: {  	_ =	strace s18  }
0x93: {  	s3 =	sld [smem:$0x3FFC];
	_ =	sdelay $0x3  }
0x94: {  	_ =	strace s3  }
0x95: {  	s3 =	sld [smem:$0x3FFD];
	_ =	sdelay $0x3  }
0x96: {  	_ =	strace s3  }
0x97: {  	_ =	strace $0x8FFFFFFF  }
0x98: {  	s19 =	sld [smem:$0x3FDB];
	_ =	sdelay $0x1  }
0x99: {  	s4 =	simm.s32 $_scs_section_size  }
0x9a: {  	s5 =	simm.s32 $_size__tile_overlayer_lowered;
	s6 =	simm.s32 $_tile_overlayer_lowered  }
0x9b: {  	s22 =	simm.s32 $0x1BFF;
	s21 =	sshll.u32 s6, $0x1;
	s3 =	sadd.s32 s4, s19  }
0x9c: {  	s7 =	simm.s32 $0x0;
	s20 =	sshll.u32 s5, $0x1;
	s5 =	sadd.s32 s21, s3  }
0x9d: {  	[timem:s7], [sflag:s22] =	dma.local [hbm:s5], s20  }
0x9e: {  	_ =	swait.ge [sflag:s22], s20  }
0x9f: {  	s4 =	ssub.s32 $0x0, s20;
	[sflag:s22] =	ssyncset.done $0x0  }
0xa0: {  	[sflag:s22] =	ssyncadd.s32 s4;
	_ =	sdelay $0x1  }
0xa1: {  	s23 =	simm.s32 $0x1B8B  }
0xa2: {  	_ =	swait.ge [sflag:s23], $0x1  }
0xa3: {  	[sflag:s23] =	ssyncset.done $0x0  }
0xa4: {  	s25 =	simm.s32 $0x1B8E;
	s24 =	sld [smem:$0x3FFE];
	[sflag:s23] =	ssyncadd.s32 $0xFFFFFFFF  }
0xa5: {  	s26 =	simm.s32 $execute0_lowered;
	[smem:$0x3FD2] =	sst s25  }
0xa6: {  	s5 =	sshll.u32 s26, $0x1;
	_ =	strace $0x80000046;
	[dreg:$0x1] =	wrdreg $0xFFFFFFFF  }
0xa7: {  	s28 =	simm.s32 $_size_execute0_lowered;
	s3 =	sadd.s32 s3, s5;
	[dreg:$0x0] =	wrdreg $0x0  }
0xa8: {  	s5 =	sshll.u32 s28, $0x1;
	[dreg:$0x2] =	wrdreg s3  }
0xa9: {  	[dreg:$0x3] =	wrdreg s5  }
0xaa: {  	[dreg:$0x4] =	wrdreg $0xC0  }
0xab: {  	_ =	task [dreg:s7], $0x5FFFF  }
0xac: {  	[dreg:$0x1] =	wrdreg $0xFFFFFFFF  }
0xad: {  	[dreg:$0x0] =	wrdreg $0x60  }
0xae: {  	[dreg:$0x2] =	wrdreg s2  }
0xaf: {  	[dreg:$0x3] =	wrdreg s24  }
0xb0: {  	[dreg:$0x4] =	wrdreg $0x9  }
0xb1: {  	_ =	task.clear_ibuf [dreg:s7], $0x5FFFF;
	_ =	strace $0x90000046  }
0xb2: {  	s29 =	simm.s32 $0x9;
	_ =	strace $0x80000048  }
0xb3: {  	_ =	swait.ge [sflag:s29], $0x1  }
0xb4: {  	[sflag:s29] =	ssyncadd.s32 $0xFFFFFFFF  }
0xb5: {  	_ =	strace $0x90000048  }
0xb6: {  	_ =	sfence  }
0xb7: {  	s30 =	sld [smem:$0x0];
	_ =	sdelay $0x2  }
0xb8: {  	s31 =	sshll.u32 s1, $0xD;
	s1 =	sshrl.u32 s1, $0x2  }
0xb9: {  	s3 =	sand.u32 $0x4000, s31;
	s1 =	sadd.s32 s1, s30  }
0xba: {  	s0 =	sor.u32 s3, s0;
	s1 =	sshll.u32 s1, $0x11  }
0xbb: {  	s0 =	sor.u32 s1, s0  }
0xbc: {  	s0 =	sadd.s32 $0x8F2B, s0  }
0xbd: {  	[sflag:s0] =	ssyncadd.remote.s32 $0x1  }
0xbe: {  	_ =	sfence.sel $0xFFFF  }
0xbf: {  	[dreg:$0x0] =	wrdreg $0xFFFFFFFF;
	(pc) =	sbr.abs _section_cstart, $3  }
0xc0: {  	[dreg:$0x1] =	wrdreg $0xFFFFFFFF  }
0xc1: {  	_ =	task.clear_ibuf [dreg:s7], $0x2FFFF;
	_ =	strace $0x9FFFFFFF  }
0xc2: {  	(tm) =	ssettm $0x7FFFFFFF  }
0xc3: {  	_ =	shalt  }
tec
execute0_lowered:
.L_overlay_start_1:
0x0: {  	(tag) =	ssettag $0x1  }
0x1: {  	s1 =	srdreg.scid;
	s0 =	stileid.u32  }
0x2: {  	s10 =	sand.u32 $0x1, s1;
	s26 =	sshll.u32 s0, $0x1  }
0x3: {  	s2 =	rddreg [dreg:$0x0];
	s8 =	sor.u32 s10, s26  }
0x4: {  	s9 =	rddreg [dreg:$0x1];
	s11 =	smul.u32 $0x600, s8  }
0x5: {  	s3 =	simm.s32 $0x0;
	s1 =	rddreg [dreg:$0x2]  }
0x6: {  	[smem:$0x7FF] =	sst s3;
	s12 =	sadd.s32 $0x44A00, s9;
	s4 =	sshrl.u32 s11, $0x3  }
0x7: {  	_ =	strace $0x80000047;
	s5 =	sadd.s32 s12, s4;
	s4 =	simm.s32 $0x2  }
0x8: {  	[tilespmem:s3], [sflag:$0x2] =	stream.linear.gather [hbm4b:s5+s3], $0x300, $0x38;
	[tilespmem:$0x18300] =	vst v63  }
0x9: {  	_ =	swait.ge [sflag:s4], $0x300  }
0xa: {  	[sflag:s4] =	ssyncset.done $0x0  }
0xb: {  	s6 =	simm.s32 $0x300;
	s7 =	simm.s32 $0x1;
	[sflag:s4] =	ssyncadd.s32 $0xFFFFFD00  }
0xc: {  	[tilespmem:s6], [sflag:$0x1] =	stream.indirect.gather [hbm4b:s2+s6], $0x80, s3, s6, $0xb8;
	[tilespmem:$0x18300] =	vst v63  }
0xd: {  	s8 =	smul.u32 $0x6000, s8;
	_ =	swait.ge [sflag:s7], $0x18000  }
0xe: {  	s13 =	sadd.s32 $0x46200, s9;
	[sflag:s7] =	ssyncset.done $0x0  }
0xf: {  	s8 =	sadd.s32 s13, s8;
	[sflag:s7] =	ssyncadd.s32 $0xFFFE8000  }
0x10: {  	[hbm4b:s8+s3] =	stream.linear.scatter [tilespmem:s6], [sflag:$0x2], $0x18000, $0x38;
	[tilespmem:$0x18300] =	vst v63  }
0x11: {  	s11 =	sadd.s32 $0x300, s11;
	_ =	swait.ge [sflag:s4], $0x18000  }
0x12: {  	s28 =	sshrl.u32 s11, $0x3;
	[sflag:s4] =	ssyncset.done $0x0  }
0x13: {  	s10 =	ssub.s32 $0x2, s10;
	s9 =	sadd.s32 s12, s28;
	[sflag:s4] =	ssyncadd.s32 $0xFFFE8000  }
0x14: {  	[tilespmem:s3], [sflag:$0x2] =	stream.linear.gather [hbm4b:s9+s3], $0x300, $0x38;
	[tilespmem:$0x18300] =	vst v63  }
0x15: {  	s29 =	sshrl.u32 s10, $0x1;
	_ =	swait.ge [sflag:s4], $0x300  }
0x16: {  	s12 =	ssub.s32 s10, s29;
	[sflag:s4] =	ssyncset.done $0x0  }
0x17: {  	s31 =	smax.u32 s12, $0x1;
	[sflag:s4] =	ssyncadd.s32 $0xFFFFFD00  }
0x18: {  	[tilespmem:s6], [sflag:$0x1] =	stream.indirect.gather [hbm4b:s2+s6], $0x80, s3, s6, $0xb8;
	[tilespmem:$0x18300] =	vst v63  }
0x19: {  	p0 =	sne.s32 s31, $0x1;
	_ =	swait.ge [sflag:s7], $0x18000  }
.Ltmp0:
0x1a: {  	s30 =	sshll.u32 s11, $0x4;
	[sflag:s7] =	ssyncset.done $0x0;
	(pc) =	sbr.rel @!p0 .LBB2_2-.Ltmp0, $4  }
0x1b: {  	s10 =	sadd.s32 s13, s30;
	[sflag:s7] =	ssyncadd.s32 $0xFFFE8000  }
0x1c: {  	[hbm4b:s10+s3] =	stream.linear.scatter [tilespmem:s6], [sflag:$0x2], $0x18000, $0x38;
	[tilespmem:$0x18300] =	vst v63  }
0x1d: {  	_ =	swait.ge [sflag:s4], $0x18000  }
0x1e: {  	s11 =	sadd.s32 $0xFFFFFFFF, s31;
	[sflag:s4] =	ssyncset.done $0x0  }
.LBB2_1:
0x1f: {  	p0 =	sne.s32 s11, $0x1;
	s11 =	sadd.s32 $0xFFFFFFFF, s11;
	[sflag:s4] =	ssyncadd.s32 $0xFFFE8000  }
0x20: {  	[tilespmem:s3], [sflag:$0x2] =	stream.linear.gather [hbm4b:s5+s3], $0x300, $0x38;
	[tilespmem:$0x18300] =	vst v63  }
0x21: {  	_ =	swait.ge [sflag:s4], $0x300  }
0x22: {  	[sflag:s4] =	ssyncset.done $0x0  }
0x23: {  	[sflag:s4] =	ssyncadd.s32 $0xFFFFFD00  }
0x24: {  	[tilespmem:s6], [sflag:$0x1] =	stream.indirect.gather [hbm4b:s2+s6], $0x80, s3, s6, $0xb8;
	[tilespmem:$0x18300] =	vst v63  }
0x25: {  	_ =	swait.ge [sflag:s7], $0x18000  }
0x26: {  	[sflag:s7] =	ssyncset.done $0x0  }
0x27: {  	[sflag:s7] =	ssyncadd.s32 $0xFFFE8000  }
0x28: {  	[hbm4b:s8+s3] =	stream.linear.scatter [tilespmem:s6], [sflag:$0x2], $0x18000, $0x38;
	[tilespmem:$0x18300] =	vst v63  }
0x29: {  	_ =	swait.ge [sflag:s4], $0x18000  }
0x2a: {  	[sflag:s4] =	ssyncset.done $0x0  }
0x2b: {  	[sflag:s4] =	ssyncadd.s32 $0xFFFE8000  }
0x2c: {  	[tilespmem:s3], [sflag:$0x2] =	stream.linear.gather [hbm4b:s9+s3], $0x300, $0x38;
	[tilespmem:$0x18300] =	vst v63  }
0x2d: {  	_ =	swait.ge [sflag:s4], $0x300  }
0x2e: {  	[sflag:s4] =	ssyncset.done $0x0  }
0x2f: {  	[sflag:s4] =	ssyncadd.s32 $0xFFFFFD00  }
0x30: {  	[tilespmem:s6], [sflag:$0x1] =	stream.indirect.gather [hbm4b:s2+s6], $0x80, s3, s6, $0xb8;
	[tilespmem:$0x18300] =	vst v63  }
0x31: {  	_ =	swait.ge [sflag:s7], $0x18000  }
.Ltmp1:
0x32: {  	[sflag:s7] =	ssyncset.done $0x0;
	(pc) =	sbr.rel @p0 .LBB2_1-.Ltmp1, $4  }
0x33: {  	[sflag:s7] =	ssyncadd.s32 $0xFFFE8000  }
0x34: {  	[hbm4b:s10+s3] =	stream.linear.scatter [tilespmem:s6], [sflag:$0x2], $0x18000, $0x38;
	[tilespmem:$0x18300] =	vst v63  }
0x35: {  	_ =	swait.ge [sflag:s4], $0x18000  }
0x36: {  	[sflag:s4] =	ssyncset.done $0x0  }
.LBB2_2:
0x37: {  	[sflag:s4] =	ssyncadd.s32 $0xFFFE8000  }
0x38: {  	_ =	sfence.sel $0x180000  }
0x39: {  	[bflag:$0x0] =	sbarrier.arrive $0xFFFF  }
0x3a: {  	p0 =	sne.s32 s0, $0x0;
	_ =	strace $0x90000047  }
0x3b: {  	s0 =	sadd.s32 @!p0 $0x100000, s1;
	[bflag:$0x2] =	sbarrier.arrive $0xFFFF  }
0x3c: {  	[sflag:s0] =	ssyncadd.tile.s32 @!p0 $0x1;
	_ =	shalt  }
.Lfunc_end2:
_tile_overlayer_lowered:
.L_overlay_start_2:
0x3d: {  	(tag) =	ssettag $0x2  }
0x3e: {  	s0 =	rddreg [dreg:$0x0];
	s2 =	stileid.u32  }
0x3f: {  	s1 =	rddreg [dreg:$0x1];
	p0 =	sne.s32 s2, $0x0  }
0x40: {  	s3 =	rddreg [dreg:$0x2];
	[bflag:$0x3] =	sbarrier.arrive $0xFFFF;
	s2 =	simm.s32 @!p0 $0x1C02  }
0x41: {  	[timem:s3], [sflag:s2] =	dma.local @!p0 [hbm:s0], s1  }
0x42: {  	s0 =	simm.s32 @!p0 $0x2  }
0x43: {  	_ =	swait.ge @!p0 [sflag:s0], s1  }
0x44: {  	s1 =	ssub.s32 @!p0 $0x0, s1;
	[sflag:s0] =	ssyncset.done @!p0 $0x0  }
0x45: {  	[sflag:s0] =	ssyncadd.s32 @!p0 s1  }
0x46: {  	[bflag:$0x3] =	sbarrier.arrive $0xFFFF  }
0x47: {  	_ =	shalt  }

</sc_bundles>
